<compile_context>
chip_gen: v7x
topology: tpu7x:2x2x1
jax: 0.10.2.dev20260603
libtpu: 0.0.44.dev20260713+nightly
codegen_flags: <defaults>
</compile_context>

<pallas_src>
import functools

import jax
import jax.numpy as jnp
from jax import lax
from jax.experimental import pallas as pl
from jax.experimental.pallas import tpu as pltpu
from jax.experimental.pallas import tpu_sc as plsc

_NC = 2
_NS = 16
_NW = _NC * _NS
_CH = 128
_LG = 13
_LB = 1 << _LG


def _bf16_bits(y):
    u = lax.bitcast_convert_type(y, jnp.int32)
    t = u + 32767 + (lax.shift_right_logical(u, 16) & 1)
    return lax.shift_right_logical(t, 16)


def _pack_body(x0_ref, x1_ref, x2_ref, x3_ref, eye_ref, o_ref):
    eye = eye_ref[...]
    dn = (((0,), (0,)), ((), ()))
    bits = []
    for ref in (x0_ref, x1_ref, x2_ref, x3_ref):
        y = lax.dot_general(ref[...], eye, dn,
                            preferred_element_type=jnp.float32)
        bits.append(_bf16_bits(y))
    o_ref[:, 0:64] = bits[0] | lax.shift_left(bits[1], 16)
    o_ref[:, 64:128] = bits[2] | lax.shift_left(bits[3], 16)


def _pack(table_t, n_rows, eye):
    nvalid = (n_rows + _LB - 1) // _LB
    grid = (nvalid + 3) // 4
    last = nvalid - 1
    mk = lambda k: pl.BlockSpec(
        (64, _LB), lambda i, k=k: (0, jnp.minimum(4 * i + k, last)))
    return pl.pallas_call(
        _pack_body,
        grid=(grid,),
        in_specs=[mk(0), mk(1), mk(2), mk(3),
                  pl.BlockSpec((64, 64), lambda i: (0, 0))],
        out_specs=pl.BlockSpec((_LB, 128), lambda i: (i, 0)),
        out_shape=jax.ShapeDtypeStruct((grid * _LB, 128), jnp.int32),
        compiler_params=pltpu.CompilerParams(
            dimension_semantics=("parallel",)),
    )(table_t, table_t, table_t, table_t, eye)


@functools.lru_cache(maxsize=None)
def _make_sc_gather(B, NT):
    bpw = B // _NW
    assert B % (8 * _NW) == 0 and bpw % _CH == 0
    nch = bpw // _CH
    mesh = plsc.VectorSubcoreMesh(core_axis_name="c", subcore_axis_name="s")

    @functools.partial(
        pl.kernel,
        mesh=mesh,
        compiler_params=pltpu.CompilerParams(use_tc_tiling_on_sc=False),
        out_type=jax.ShapeDtypeStruct((B, 128), jnp.int32),
        scratch_types=[
            pltpu.VMEM((bpw,), jnp.int32),
            pltpu.VMEM((bpw, 128), jnp.int32),
            pltpu.SemaphoreType.DMA,
        ],
    )
    def gather_kernel(t_hbm, idx_hbm, out_hbm, idx_v, rows_v, sem):
        wid = lax.axis_index("s") * _NC + lax.axis_index("c")
        base = wid * bpw
        pltpu.sync_copy(idx_hbm.at[pl.ds(base, bpw)], idx_v)
        copies = []
        for t in range(nch):
            sl = pl.ds(t * _CH, _CH)
            copies.append(pltpu.async_copy(t_hbm.at[idx_v.at[sl]],
                                           rows_v.at[sl], sem))
        for c in copies:
            c.wait()
        pltpu.sync_copy(rows_v, out_hbm.at[pl.ds(base, bpw)])

    return gather_kernel


def _unpack(words, id_ref):
    hb = jnp.int32(2 * _LB)
    lb = jnp.int32(_LB)
    half = jnp.where((id_ref[...] & hb) == hb, words[:, 64:], words[:, :64])
    bits = jnp.where((id_ref[...] & lb) == lb,
                     half & jnp.int32(-65536), lax.shift_left(half, 16))
    return lax.bitcast_convert_type(bits, jnp.float32)


def _mlp_body(uid_ref, jid_ref, u_ref, j_ref, w1u_ref, w1j_ref, b1_ref,
              w2_ref, b2_ref, w3_ref, b3_ref, w4_ref, b4_ref, o_ref):
    u = _unpack(u_ref[...], uid_ref)
    j = _unpack(j_ref[...], jid_ref)
    x = jnp.dot(u, w1u_ref[...], preferred_element_type=jnp.float32)
    x = x + jnp.dot(j, w1j_ref[...], preferred_element_type=jnp.float32)
    h = jnp.maximum(x + b1_ref[...], 0.0)
    h = jnp.maximum(jnp.dot(h, w2_ref[...],
                            preferred_element_type=jnp.float32) + b2_ref[...],
                    0.0)
    h = jnp.maximum(jnp.dot(h, w3_ref[...],
                            preferred_element_type=jnp.float32) + b3_ref[...],
                    0.0)
    o_ref[...] = (jnp.sum(h * w4_ref[...], axis=1, keepdims=True)
                  + b4_ref[0, 0])


def _mlp(uid, jid, u, j, W1, b1, W2, b2, W3, b3, W4, b4):
    B = u.shape[0]
    H1 = W1.shape[0]
    H2 = W2.shape[0]
    H3 = W3.shape[0]
    R = 2048
    w1u = W1[:, :64].T
    w1j = W1[:, 64:].T
    full = lambda shape: pl.BlockSpec(shape, lambda i: (0, 0))
    return pl.pallas_call(
        _mlp_body,
        grid=(B // R,),
        in_specs=[
            pl.BlockSpec((R, 1), lambda i: (i, 0)),
            pl.BlockSpec((R, 1), lambda i: (i, 0)),
            pl.BlockSpec((R, 128), lambda i: (i, 0)),
            pl.BlockSpec((R, 128), lambda i: (i, 0)),
            full((64, H1)),
            full((64, H1)),
            full((1, H1)),
            full((H1, H2)),
            full((1, H2)),
            full((H2, H3)),
            full((1, H3)),
            full((1, H3)),
            full((1, 1)),
        ],
        out_specs=pl.BlockSpec((R, 1), lambda i: (i, 0)),
        out_shape=jax.ShapeDtypeStruct((B, 1), jnp.float32),
        compiler_params=pltpu.CompilerParams(
            dimension_semantics=("parallel",)),
    )(uid.reshape(B, 1), jid.reshape(B, 1), u, j, w1u, w1j,
      b1.reshape(1, H1), W2.T, b2.reshape(1, H2), W3.T, b3.reshape(1, H3),
      W4.reshape(1, H3), b4.reshape(1, 1))


def kernel(user_id, joke_id, user_table, joke_table,
           W1, b1, W2, b2, W3, b3, W4, b4):
    B = user_id.shape[0]
    NU = user_table.shape[0]
    NJ = joke_table.shape[0]
    eye = jnp.eye(64, dtype=jnp.float32)
    uid_packed = ((user_id >> (_LG + 2)) << _LG) | (user_id & (_LB - 1))
    jid_packed = ((joke_id >> (_LG + 2)) << _LG) | (joke_id & (_LB - 1))
    jt_packed = _pack(joke_table.T, NJ, eye)
    j_rows = _make_sc_gather(B, jt_packed.shape[0])(jt_packed, jid_packed)
    ut_packed = _pack(user_table.T, NU, eye)
    u_rows = _make_sc_gather(B, ut_packed.shape[0])(ut_packed, uid_packed)
    return _mlp(user_id, joke_id, u_rows, j_rows,
                W1, b1, W2, b2, W3, b3, W4, b4)

# --- scband reference (transcript-rebuilt; emitter-appended) ---
"""Pipeline reference for scband-neural-collaborative-86827058856441 (READ-ONLY COPY).

The authoritative reference and input builder live on the scoring server;
editing this copy changes nothing except your own understanding.
"""

import jax, jax.numpy as jnp
import numpy as np

NUM_USERS = 1000000
NUM_JOKES = 100000
EMBED_DIM = 64
BATCH = 16384

def setup_inputs(seed: int = 0) -> dict:
    key = jax.random.key(seed)
    ks = jax.random.split(key, 12)
    user_id = jax.random.randint(ks[0], (BATCH,), 0, NUM_USERS, dtype=jnp.int64 if jax.config.jax_enable_x64 else jnp.int32).astype(jnp.int32)
    joke_id = jax.random.randint(ks[1], (BATCH,), 0, NUM_JOKES, dtype=jnp.int32)
    user_table = jax.random.normal(ks[2], (NUM_USERS, EMBED_DIM), dtype=jnp.float32)
    joke_table = jax.random.normal(ks[3], (NUM_JOKES, EMBED_DIM), dtype=jnp.float32)
    d_in = EMBED_DIM * 2
    W1 = jax.random.normal(ks[4], (256, d_in), dtype=jnp.float32) * (1.0 / np.sqrt(d_in))
    b1 = jnp.zeros((256,), dtype=jnp.float32)
    W2 = jax.random.normal(ks[5], (128, 256), dtype=jnp.float32) * (1.0 / np.sqrt(256))
    b2 = jnp.zeros((128,), dtype=jnp.float32)
    W3 = jax.random.normal(ks[6], (64, 128), dtype=jnp.float32) * (1.0 / np.sqrt(128))
    b3 = jnp.zeros((64,), dtype=jnp.float32)
    W4 = jax.random.normal(ks[7], (1, 64), dtype=jnp.float32) * (1.0 / np.sqrt(64))
    b4 = jnp.zeros((1,), dtype=jnp.float32)
    return {"user_id": user_id, "joke_id": joke_id, "user_table": user_table, "joke_table": joke_table,
            "W1": W1, "b1": b1, "W2": W2, "b2": b2, "W3": W3, "b3": b3, "W4": W4, "b4": b4}

def reference(user_id, joke_id, user_table, joke_table, W1, b1, W2, b2, W3, b3, W4, b4):
    user_embedding = jnp.take(user_table, user_id, axis=0)
    joke_embedding = jnp.take(joke_table, joke_id, axis=0)
    x = jnp.concatenate([user_embedding, joke_embedding], axis=1)
    x = jax.nn.relu(x @ W1.T + b1)
    x = jax.nn.relu(x @ W2.T + b2)
    x = jax.nn.relu(x @ W3.T + b3)
    output = x @ W4.T + b4
    return output

if __name__ == "__main__":
    import jax
    _d = setup_inputs()
    print(jax.jit(kernel)(*tuple(_d.values())))

</pallas_src>

<mosaic_0001>
#map = affine_map<(d0, d1) -> (0, 0)>
#map1 = affine_map<(d0, d1) -> (0)>
module attributes {stable_mosaic.version = 14 : i64} {
  func.func @gather_kernel(%arg0: i32, %arg1: i32, %arg2: memref<253952x128xi32, #tpu.memory_space<hbm>>, %arg3: memref<16384xi32, #tpu.memory_space<hbm>>, %arg4: memref<16384x128xi32, #tpu.memory_space<hbm>>, %arg5: memref<512xi32, #tpu.memory_space<vmem>>, %arg6: memref<512x128xi32, #tpu.memory_space<vmem>>, %arg7: memref<!tpu.dma_semaphore, #tpu.memory_space<semaphore_mem>>) attributes {dimension_semantics = [#tpu.dimension_semantics<core_parallel>, #tpu.dimension_semantics<subcore_parallel>], iteration_bounds = array<i64: 2, 16>, scalar_prefetch = 0 : i64, scratch_operands = 3 : i64, tpu.core_type = #tpu.core_type<sc_vector_subcore>, window_params = [{transform_indices = #map}, {transform_indices = #map1}, {transform_indices = #map}]} {
    %mul3A = arith.constant 2 : i32
    %mul3A_0 = arith.muli %arg1, %mul3A : i32
    %add3A = arith.addi %mul3A_0, %arg0 : i32
    %mul3A_1 = arith.constant 512 : i32
    %mul3A_2 = arith.muli %add3A, %mul3A_1 : i32
    "tpu.region"() ({
      %run_scoped3A = tpu.sem_alloc : memref<!tpu.dma_semaphore, #tpu.memory_space<semaphore_mem>>
      %dma_start3A_65 = tpu.memref_slice %arg3[%mul3A_2] : memref<16384xi32, #tpu.memory_space<hbm>> -> memref<512xi32, #tpu.memory_space<hbm>>
      %dma_start3A_66 = tpu.memref_slice %arg3[%mul3A_2] : memref<16384xi32, #tpu.memory_space<hbm>> -> memref<512xi32, #tpu.memory_space<hbm>>
      tpu.enqueue_dma source(%dma_start3A_66 : memref<512xi32, #tpu.memory_space<hbm>>) target(%arg5 : memref<512xi32, #tpu.memory_space<vmem>>) target_semaphore(%run_scoped3A : memref<!tpu.dma_semaphore, #tpu.memory_space<semaphore_mem>>)
      %dma_wait3A_67 = tpu.memref_slice %arg3[%mul3A_2] : memref<16384xi32, #tpu.memory_space<hbm>> -> memref<512xi32, #tpu.memory_space<hbm>>
      %dma_wait3A_68 = tpu.memref_slice %arg3[%mul3A_2] : memref<16384xi32, #tpu.memory_space<hbm>> -> memref<512xi32, #tpu.memory_space<hbm>>
      tpu.wait_dma2 semaphore(%run_scoped3A : memref<!tpu.dma_semaphore, #tpu.memory_space<semaphore_mem>>) src(%dma_wait3A_68 : memref<512xi32, #tpu.memory_space<hbm>>) dst(%arg5 : memref<512xi32, #tpu.memory_space<vmem>>)
      tpu.yield
    }) : () -> ()
    %dma_start3A = arith.constant 0 : i32
    %dma_start3A_3 = arith.constant 0 : i32
    %dma_start3A_4 = tpu.memref_slice %arg6[%dma_start3A, %dma_start3A_3] : memref<512x128xi32, #tpu.memory_space<vmem>> -> memref<128x128xi32, #tpu.memory_space<vmem>>
    %dma_start3A_5 = arith.constant 0 : i32
    %dma_start3A_6 = tpu.memref_slice %arg5[%dma_start3A_5] : memref<512xi32, #tpu.memory_space<vmem>> -> memref<128xi32, #tpu.memory_space<vmem>>
    %dma_start3A_7 = arith.constant 0 : i32
    %dma_start3A_8 = arith.constant 0 : i32
    %dma_start3A_9 = tpu.memref_slice %arg2[%dma_start3A_7, %dma_start3A_8] : memref<253952x128xi32, #tpu.memory_space<hbm>> -> memref<253952x128xi32, #tpu.memory_space<hbm>>
    tpu.enqueue_indirect_dma source(%dma_start3A_9 : memref<253952x128xi32, #tpu.memory_space<hbm>>) target(%dma_start3A_4 : memref<128x128xi32, #tpu.memory_space<vmem>>) offsets(%dma_start3A_6 : memref<128xi32, #tpu.memory_space<vmem>>) semaphore(%arg7 : memref<!tpu.dma_semaphore, #tpu.memory_space<semaphore_mem>>)
    %dma_start3A_10 = arith.constant 128 : i32
    %dma_start3A_11 = arith.constant 0 : i32
    %dma_start3A_12 = tpu.memref_slice %arg6[%dma_start3A_10, %dma_start3A_11] : memref<512x128xi32, #tpu.memory_space<vmem>> -> memref<128x128xi32, #tpu.memory_space<vmem>>
    %dma_start3A_13 = arith.constant 128 : i32
    %dma_start3A_14 = tpu.memref_slice %arg5[%dma_start3A_13] : memref<512xi32, #tpu.memory_space<vmem>> -> memref<128xi32, #tpu.memory_space<vmem>>
    %dma_start3A_15 = arith.constant 0 : i32
    %dma_start3A_16 = arith.constant 0 : i32
    %dma_start3A_17 = tpu.memref_slice %arg2[%dma_start3A_15, %dma_start3A_16] : memref<253952x128xi32, #tpu.memory_space<hbm>> -> memref<253952x128xi32, #tpu.memory_space<hbm>>
    tpu.enqueue_indirect_dma source(%dma_start3A_17 : memref<253952x128xi32, #tpu.memory_space<hbm>>) target(%dma_start3A_12 : memref<128x128xi32, #tpu.memory_space<vmem>>) offsets(%dma_start3A_14 : memref<128xi32, #tpu.memory_space<vmem>>) semaphore(%arg7 : memref<!tpu.dma_semaphore, #tpu.memory_space<semaphore_mem>>)
    %dma_start3A_18 = arith.constant 256 : i32
    %dma_start3A_19 = arith.constant 0 : i32
    %dma_start3A_20 = tpu.memref_slice %arg6[%dma_start3A_18, %dma_start3A_19] : memref<512x128xi32, #tpu.memory_space<vmem>> -> memref<128x128xi32, #tpu.memory_space<vmem>>
    %dma_start3A_21 = arith.constant 256 : i32
    %dma_start3A_22 = tpu.memref_slice %arg5[%dma_start3A_21] : memref<512xi32, #tpu.memory_space<vmem>> -> memref<128xi32, #tpu.memory_space<vmem>>
    %dma_start3A_23 = arith.constant 0 : i32
    %dma_start3A_24 = arith.constant 0 : i32
    %dma_start3A_25 = tpu.memref_slice %arg2[%dma_start3A_23, %dma_start3A_24] : memref<253952x128xi32, #tpu.memory_space<hbm>> -> memref<253952x128xi32, #tpu.memory_space<hbm>>
    tpu.enqueue_indirect_dma source(%dma_start3A_25 : memref<253952x128xi32, #tpu.memory_space<hbm>>) target(%dma_start3A_20 : memref<128x128xi32, #tpu.memory_space<vmem>>) offsets(%dma_start3A_22 : memref<128xi32, #tpu.memory_space<vmem>>) semaphore(%arg7 : memref<!tpu.dma_semaphore, #tpu.memory_space<semaphore_mem>>)
    %dma_start3A_26 = arith.constant 384 : i32
    %dma_start3A_27 = arith.constant 0 : i32
    %dma_start3A_28 = tpu.memref_slice %arg6[%dma_start3A_26, %dma_start3A_27] : memref<512x128xi32, #tpu.memory_space<vmem>> -> memref<128x128xi32, #tpu.memory_space<vmem>>
    %dma_start3A_29 = arith.constant 384 : i32
    %dma_start3A_30 = tpu.memref_slice %arg5[%dma_start3A_29] : memref<512xi32, #tpu.memory_space<vmem>> -> memref<128xi32, #tpu.memory_space<vmem>>
    %dma_start3A_31 = arith.constant 0 : i32
    %dma_start3A_32 = arith.constant 0 : i32
    %dma_start3A_33 = tpu.memref_slice %arg2[%dma_start3A_31, %dma_start3A_32] : memref<253952x128xi32, #tpu.memory_space<hbm>> -> memref<253952x128xi32, #tpu.memory_space<hbm>>
    tpu.enqueue_indirect_dma source(%dma_start3A_33 : memref<253952x128xi32, #tpu.memory_space<hbm>>) target(%dma_start3A_28 : memref<128x128xi32, #tpu.memory_space<vmem>>) offsets(%dma_start3A_30 : memref<128xi32, #tpu.memory_space<vmem>>) semaphore(%arg7 : memref<!tpu.dma_semaphore, #tpu.memory_space<semaphore_mem>>)
    %dma_wait3A = arith.constant 0 : i32
    %dma_wait3A_34 = arith.constant 0 : i32
    %dma_wait3A_35 = tpu.memref_slice %arg6[%dma_wait3A, %dma_wait3A_34] : memref<512x128xi32, #tpu.memory_space<vmem>> -> memref<128x128xi32, #tpu.memory_space<vmem>>
    %dma_wait3A_36 = arith.constant 0 : i32
    %dma_wait3A_37 = tpu.memref_slice %arg5[%dma_wait3A_36] : memref<512xi32, #tpu.memory_space<vmem>> -> memref<128xi32, #tpu.memory_space<vmem>>
    %dma_wait3A_38 = arith.constant 0 : i32
    %dma_wait3A_39 = arith.constant 0 : i32
    %dma_wait3A_40 = tpu.memref_slice %arg2[%dma_wait3A_38, %dma_wait3A_39] : memref<253952x128xi32, #tpu.memory_space<hbm>> -> memref<253952x128xi32, #tpu.memory_space<hbm>>
    tpu.wait_indirect_dma semaphore(%arg7 : memref<!tpu.dma_semaphore, #tpu.memory_space<semaphore_mem>>) src(%dma_wait3A_40 : memref<253952x128xi32, #tpu.memory_space<hbm>>) dst(%dma_wait3A_35 : memref<128x128xi32, #tpu.memory_space<vmem>>)
    %dma_wait3A_41 = arith.constant 128 : i32
    %dma_wait3A_42 = arith.constant 0 : i32
    %dma_wait3A_43 = tpu.memref_slice %arg6[%dma_wait3A_41, %dma_wait3A_42] : memref<512x128xi32, #tpu.memory_space<vmem>> -> memref<128x128xi32, #tpu.memory_space<vmem>>
    %dma_wait3A_44 = arith.constant 128 : i32
    %dma_wait3A_45 = tpu.memref_slice %arg5[%dma_wait3A_44] : memref<512xi32, #tpu.memory_space<vmem>> -> memref<128xi32, #tpu.memory_space<vmem>>
    %dma_wait3A_46 = arith.constant 0 : i32
    %dma_wait3A_47 = arith.constant 0 : i32
    %dma_wait3A_48 = tpu.memref_slice %arg2[%dma_wait3A_46, %dma_wait3A_47] : memref<253952x128xi32, #tpu.memory_space<hbm>> -> memref<253952x128xi32, #tpu.memory_space<hbm>>
    tpu.wait_indirect_dma semaphore(%arg7 : memref<!tpu.dma_semaphore, #tpu.memory_space<semaphore_mem>>) src(%dma_wait3A_48 : memref<253952x128xi32, #tpu.memory_space<hbm>>) dst(%dma_wait3A_43 : memref<128x128xi32, #tpu.memory_space<vmem>>)
    %dma_wait3A_49 = arith.constant 256 : i32
    %dma_wait3A_50 = arith.constant 0 : i32
    %dma_wait3A_51 = tpu.memref_slice %arg6[%dma_wait3A_49, %dma_wait3A_50] : memref<512x128xi32, #tpu.memory_space<vmem>> -> memref<128x128xi32, #tpu.memory_space<vmem>>
    %dma_wait3A_52 = arith.constant 256 : i32
    %dma_wait3A_53 = tpu.memref_slice %arg5[%dma_wait3A_52] : memref<512xi32, #tpu.memory_space<vmem>> -> memref<128xi32, #tpu.memory_space<vmem>>
    %dma_wait3A_54 = arith.constant 0 : i32
    %dma_wait3A_55 = arith.constant 0 : i32
    %dma_wait3A_56 = tpu.memref_slice %arg2[%dma_wait3A_54, %dma_wait3A_55] : memref<253952x128xi32, #tpu.memory_space<hbm>> -> memref<253952x128xi32, #tpu.memory_space<hbm>>
    tpu.wait_indirect_dma semaphore(%arg7 : memref<!tpu.dma_semaphore, #tpu.memory_space<semaphore_mem>>) src(%dma_wait3A_56 : memref<253952x128xi32, #tpu.memory_space<hbm>>) dst(%dma_wait3A_51 : memref<128x128xi32, #tpu.memory_space<vmem>>)
    %dma_wait3A_57 = arith.constant 384 : i32
    %dma_wait3A_58 = arith.constant 0 : i32
    %dma_wait3A_59 = tpu.memref_slice %arg6[%dma_wait3A_57, %dma_wait3A_58] : memref<512x128xi32, #tpu.memory_space<vmem>> -> memref<128x128xi32, #tpu.memory_space<vmem>>
    %dma_wait3A_60 = arith.constant 384 : i32
    %dma_wait3A_61 = tpu.memref_slice %arg5[%dma_wait3A_60] : memref<512xi32, #tpu.memory_space<vmem>> -> memref<128xi32, #tpu.memory_space<vmem>>
    %dma_wait3A_62 = arith.constant 0 : i32
    %dma_wait3A_63 = arith.constant 0 : i32
    %dma_wait3A_64 = tpu.memref_slice %arg2[%dma_wait3A_62, %dma_wait3A_63] : memref<253952x128xi32, #tpu.memory_space<hbm>> -> memref<253952x128xi32, #tpu.memory_space<hbm>>
    tpu.wait_indirect_dma semaphore(%arg7 : memref<!tpu.dma_semaphore, #tpu.memory_space<semaphore_mem>>) src(%dma_wait3A_64 : memref<253952x128xi32, #tpu.memory_space<hbm>>) dst(%dma_wait3A_59 : memref<128x128xi32, #tpu.memory_space<vmem>>)
    "tpu.region"() ({
      %run_scoped3A = tpu.sem_alloc : memref<!tpu.dma_semaphore, #tpu.memory_space<semaphore_mem>>
      %dma_start3A_65 = arith.constant 0 : i32
      %dma_start3A_66 = tpu.memref_slice %arg4[%mul3A_2, %dma_start3A_65] : memref<16384x128xi32, #tpu.memory_space<hbm>> -> memref<512x128xi32, #tpu.memory_space<hbm>>
      %dma_start3A_67 = arith.constant 0 : i32
      %dma_start3A_68 = tpu.memref_slice %arg4[%mul3A_2, %dma_start3A_67] : memref<16384x128xi32, #tpu.memory_space<hbm>> -> memref<512x128xi32, #tpu.memory_space<hbm>>
      tpu.enqueue_dma source(%arg6 : memref<512x128xi32, #tpu.memory_space<vmem>>) target(%dma_start3A_68 : memref<512x128xi32, #tpu.memory_space<hbm>>) target_semaphore(%run_scoped3A : memref<!tpu.dma_semaphore, #tpu.memory_space<semaphore_mem>>)
      %dma_wait3A_69 = arith.constant 0 : i32
      %dma_wait3A_70 = tpu.memref_slice %arg4[%mul3A_2, %dma_wait3A_69] : memref<16384x128xi32, #tpu.memory_space<hbm>> -> memref<512x128xi32, #tpu.memory_space<hbm>>
      %dma_wait3A_71 = arith.constant 0 : i32
      %dma_wait3A_72 = tpu.memref_slice %arg4[%mul3A_2, %dma_wait3A_71] : memref<16384x128xi32, #tpu.memory_space<hbm>> -> memref<512x128xi32, #tpu.memory_space<hbm>>
      tpu.wait_dma2 semaphore(%run_scoped3A : memref<!tpu.dma_semaphore, #tpu.memory_space<semaphore_mem>>) src(%arg6 : memref<512x128xi32, #tpu.memory_space<vmem>>) dst(%dma_wait3A_72 : memref<512x128xi32, #tpu.memory_space<hbm>>)
      tpu.yield
    }) : () -> ()
    return
  }
}

#map = affine_map<(d0, d1) -> (0, 0)>
#map1 = affine_map<(d0, d1) -> (0)>
module attributes {stable_mosaic.version = 14 : i64} {
  func.func @gather_kernel(%arg0: i32, %arg1: i32, %arg2: memref<32768x128xi32, #tpu.memory_space<hbm>>, %arg3: memref<16384xi32, #tpu.memory_space<hbm>>, %arg4: memref<16384x128xi32, #tpu.memory_space<hbm>>, %arg5: memref<512xi32, #tpu.memory_space<vmem>>, %arg6: memref<512x128xi32, #tpu.memory_space<vmem>>, %arg7: memref<!tpu.dma_semaphore, #tpu.memory_space<semaphore_mem>>) attributes {dimension_semantics = [#tpu.dimension_semantics<core_parallel>, #tpu.dimension_semantics<subcore_parallel>], iteration_bounds = array<i64: 2, 16>, scalar_prefetch = 0 : i64, scratch_operands = 3 : i64, tpu.core_type = #tpu.core_type<sc_vector_subcore>, window_params = [{transform_indices = #map}, {transform_indices = #map1}, {transform_indices = #map}]} {
    %mul3A = arith.constant 2 : i32
    %mul3A_0 = arith.muli %arg1, %mul3A : i32
    %add3A = arith.addi %mul3A_0, %arg0 : i32
    %mul3A_1 = arith.constant 512 : i32
    %mul3A_2 = arith.muli %add3A, %mul3A_1 : i32
    "tpu.region"() ({
      %run_scoped3A = tpu.sem_alloc : memref<!tpu.dma_semaphore, #tpu.memory_space<semaphore_mem>>
      %dma_start3A_65 = tpu.memref_slice %arg3[%mul3A_2] : memref<16384xi32, #tpu.memory_space<hbm>> -> memref<512xi32, #tpu.memory_space<hbm>>
      %dma_start3A_66 = tpu.memref_slice %arg3[%mul3A_2] : memref<16384xi32, #tpu.memory_space<hbm>> -> memref<512xi32, #tpu.memory_space<hbm>>
      tpu.enqueue_dma source(%dma_start3A_66 : memref<512xi32, #tpu.memory_space<hbm>>) target(%arg5 : memref<512xi32, #tpu.memory_space<vmem>>) target_semaphore(%run_scoped3A : memref<!tpu.dma_semaphore, #tpu.memory_space<semaphore_mem>>)
      %dma_wait3A_67 = tpu.memref_slice %arg3[%mul3A_2] : memref<16384xi32, #tpu.memory_space<hbm>> -> memref<512xi32, #tpu.memory_space<hbm>>
      %dma_wait3A_68 = tpu.memref_slice %arg3[%mul3A_2] : memref<16384xi32, #tpu.memory_space<hbm>> -> memref<512xi32, #tpu.memory_space<hbm>>
      tpu.wait_dma2 semaphore(%run_scoped3A : memref<!tpu.dma_semaphore, #tpu.memory_space<semaphore_mem>>) src(%dma_wait3A_68 : memref<512xi32, #tpu.memory_space<hbm>>) dst(%arg5 : memref<512xi32, #tpu.memory_space<vmem>>)
      tpu.yield
    }) : () -> ()
    %dma_start3A = arith.constant 0 : i32
    %dma_start3A_3 = arith.constant 0 : i32
    %dma_start3A_4 = tpu.memref_slice %arg6[%dma_start3A, %dma_start3A_3] : memref<512x128xi32, #tpu.memory_space<vmem>> -> memref<128x128xi32, #tpu.memory_space<vmem>>
    %dma_start3A_5 = arith.constant 0 : i32
    %dma_start3A_6 = tpu.memref_slice %arg5[%dma_start3A_5] : memref<512xi32, #tpu.memory_space<vmem>> -> memref<128xi32, #tpu.memory_space<vmem>>
    %dma_start3A_7 = arith.constant 0 : i32
    %dma_start3A_8 = arith.constant 0 : i32
    %dma_start3A_9 = tpu.memref_slice %arg2[%dma_start3A_7, %dma_start3A_8] : memref<32768x128xi32, #tpu.memory_space<hbm>> -> memref<32768x128xi32, #tpu.memory_space<hbm>>
    tpu.enqueue_indirect_dma source(%dma_start3A_9 : memref<32768x128xi32, #tpu.memory_space<hbm>>) target(%dma_start3A_4 : memref<128x128xi32, #tpu.memory_space<vmem>>) offsets(%dma_start3A_6 : memref<128xi32, #tpu.memory_space<vmem>>) semaphore(%arg7 : memref<!tpu.dma_semaphore, #tpu.memory_space<semaphore_mem>>)
    %dma_start3A_10 = arith.constant 128 : i32
    %dma_start3A_11 = arith.constant 0 : i32
    %dma_start3A_12 = tpu.memref_slice %arg6[%dma_start3A_10, %dma_start3A_11] : memref<512x128xi32, #tpu.memory_space<vmem>> -> memref<128x128xi32, #tpu.memory_space<vmem>>
    %dma_start3A_13 = arith.constant 128 : i32
    %dma_start3A_14 = tpu.memref_slice %arg5[%dma_start3A_13] : memref<512xi32, #tpu.memory_space<vmem>> -> memref<128xi32, #tpu.memory_space<vmem>>
    %dma_start3A_15 = arith.constant 0 : i32
    %dma_start3A_16 = arith.constant 0 : i32
    %dma_start3A_17 = tpu.memref_slice %arg2[%dma_start3A_15, %dma_start3A_16] : memref<32768x128xi32, #tpu.memory_space<hbm>> -> memref<32768x128xi32, #tpu.memory_space<hbm>>
    tpu.enqueue_indirect_dma source(%dma_start3A_17 : memref<32768x128xi32, #tpu.memory_space<hbm>>) target(%dma_start3A_12 : memref<128x128xi32, #tpu.memory_space<vmem>>) offsets(%dma_start3A_14 : memref<128xi32, #tpu.memory_space<vmem>>) semaphore(%arg7 : memref<!tpu.dma_semaphore, #tpu.memory_space<semaphore_mem>>)
    %dma_start3A_18 = arith.constant 256 : i32
    %dma_start3A_19 = arith.constant 0 : i32
    %dma_start3A_20 = tpu.memref_slice %arg6[%dma_start3A_18, %dma_start3A_19] : memref<512x128xi32, #tpu.memory_space<vmem>> -> memref<128x128xi32, #tpu.memory_space<vmem>>
    %dma_start3A_21 = arith.constant 256 : i32
    %dma_start3A_22 = tpu.memref_slice %arg5[%dma_start3A_21] : memref<512xi32, #tpu.memory_space<vmem>> -> memref<128xi32, #tpu.memory_space<vmem>>
    %dma_start3A_23 = arith.constant 0 : i32
    %dma_start3A_24 = arith.constant 0 : i32
    %dma_start3A_25 = tpu.memref_slice %arg2[%dma_start3A_23, %dma_start3A_24] : memref<32768x128xi32, #tpu.memory_space<hbm>> -> memref<32768x128xi32, #tpu.memory_space<hbm>>
    tpu.enqueue_indirect_dma source(%dma_start3A_25 : memref<32768x128xi32, #tpu.memory_space<hbm>>) target(%dma_start3A_20 : memref<128x128xi32, #tpu.memory_space<vmem>>) offsets(%dma_start3A_22 : memref<128xi32, #tpu.memory_space<vmem>>) semaphore(%arg7 : memref<!tpu.dma_semaphore, #tpu.memory_space<semaphore_mem>>)
    %dma_start3A_26 = arith.constant 384 : i32
    %dma_start3A_27 = arith.constant 0 : i32
    %dma_start3A_28 = tpu.memref_slice %arg6[%dma_start3A_26, %dma_start3A_27] : memref<512x128xi32, #tpu.memory_space<vmem>> -> memref<128x128xi32, #tpu.memory_space<vmem>>
    %dma_start3A_29 = arith.constant 384 : i32
    %dma_start3A_30 = tpu.memref_slice %arg5[%dma_start3A_29] : memref<512xi32, #tpu.memory_space<vmem>> -> memref<128xi32, #tpu.memory_space<vmem>>
    %dma_start3A_31 = arith.constant 0 : i32
    %dma_start3A_32 = arith.constant 0 : i32
    %dma_start3A_33 = tpu.memref_slice %arg2[%dma_start3A_31, %dma_start3A_32] : memref<32768x128xi32, #tpu.memory_space<hbm>> -> memref<32768x128xi32, #tpu.memory_space<hbm>>
    tpu.enqueue_indirect_dma source(%dma_start3A_33 : memref<32768x128xi32, #tpu.memory_space<hbm>>) target(%dma_start3A_28 : memref<128x128xi32, #tpu.memory_space<vmem>>) offsets(%dma_start3A_30 : memref<128xi32, #tpu.memory_space<vmem>>) semaphore(%arg7 : memref<!tpu.dma_semaphore, #tpu.memory_space<semaphore_mem>>)
    %dma_wait3A = arith.constant 0 : i32
    %dma_wait3A_34 = arith.constant 0 : i32
    %dma_wait3A_35 = tpu.memref_slice %arg6[%dma_wait3A, %dma_wait3A_34] : memref<512x128xi32, #tpu.memory_space<vmem>> -> memref<128x128xi32, #tpu.memory_space<vmem>>
    %dma_wait3A_36 = arith.constant 0 : i32
    %dma_wait3A_37 = tpu.memref_slice %arg5[%dma_wait3A_36] : memref<512xi32, #tpu.memory_space<vmem>> -> memref<128xi32, #tpu.memory_space<vmem>>
    %dma_wait3A_38 = arith.constant 0 : i32
    %dma_wait3A_39 = arith.constant 0 : i32
    %dma_wait3A_40 = tpu.memref_slice %arg2[%dma_wait3A_38, %dma_wait3A_39] : memref<32768x128xi32, #tpu.memory_space<hbm>> -> memref<32768x128xi32, #tpu.memory_space<hbm>>
    tpu.wait_indirect_dma semaphore(%arg7 : memref<!tpu.dma_semaphore, #tpu.memory_space<semaphore_mem>>) src(%dma_wait3A_40 : memref<32768x128xi32, #tpu.memory_space<hbm>>) dst(%dma_wait3A_35 : memref<128x128xi32, #tpu.memory_space<vmem>>)
    %dma_wait3A_41 = arith.constant 128 : i32
    %dma_wait3A_42 = arith.constant 0 : i32
    %dma_wait3A_43 = tpu.memref_slice %arg6[%dma_wait3A_41, %dma_wait3A_42] : memref<512x128xi32, #tpu.memory_space<vmem>> -> memref<128x128xi32, #tpu.memory_space<vmem>>
    %dma_wait3A_44 = arith.constant 128 : i32
    %dma_wait3A_45 = tpu.memref_slice %arg5[%dma_wait3A_44] : memref<512xi32, #tpu.memory_space<vmem>> -> memref<128xi32, #tpu.memory_space<vmem>>
    %dma_wait3A_46 = arith.constant 0 : i32
    %dma_wait3A_47 = arith.constant 0 : i32
    %dma_wait3A_48 = tpu.memref_slice %arg2[%dma_wait3A_46, %dma_wait3A_47] : memref<32768x128xi32, #tpu.memory_space<hbm>> -> memref<32768x128xi32, #tpu.memory_space<hbm>>
    tpu.wait_indirect_dma semaphore(%arg7 : memref<!tpu.dma_semaphore, #tpu.memory_space<semaphore_mem>>) src(%dma_wait3A_48 : memref<32768x128xi32, #tpu.memory_space<hbm>>) dst(%dma_wait3A_43 : memref<128x128xi32, #tpu.memory_space<vmem>>)
    %dma_wait3A_49 = arith.constant 256 : i32
    %dma_wait3A_50 = arith.constant 0 : i32
    %dma_wait3A_51 = tpu.memref_slice %arg6[%dma_wait3A_49, %dma_wait3A_50] : memref<512x128xi32, #tpu.memory_space<vmem>> -> memref<128x128xi32, #tpu.memory_space<vmem>>
    %dma_wait3A_52 = arith.constant 256 : i32
    %dma_wait3A_53 = tpu.memref_slice %arg5[%dma_wait3A_52] : memref<512xi32, #tpu.memory_space<vmem>> -> memref<128xi32, #tpu.memory_space<vmem>>
    %dma_wait3A_54 = arith.constant 0 : i32
    %dma_wait3A_55 = arith.constant 0 : i32
    %dma_wait3A_56 = tpu.memref_slice %arg2[%dma_wait3A_54, %dma_wait3A_55] : memref<32768x128xi32, #tpu.memory_space<hbm>> -> memref<32768x128xi32, #tpu.memory_space<hbm>>
    tpu.wait_indirect_dma semaphore(%arg7 : memref<!tpu.dma_semaphore, #tpu.memory_space<semaphore_mem>>) src(%dma_wait3A_56 : memref<32768x128xi32, #tpu.memory_space<hbm>>) dst(%dma_wait3A_51 : memref<128x128xi32, #tpu.memory_space<vmem>>)
    %dma_wait3A_57 = arith.constant 384 : i32
    %dma_wait3A_58 = arith.constant 0 : i32
    %dma_wait3A_59 = tpu.memref_slice %arg6[%dma_wait3A_57, %dma_wait3A_58] : memref<512x128xi32, #tpu.memory_space<vmem>> -> memref<128x128xi32, #tpu.memory_space<vmem>>
    %dma_wait3A_60 = arith.constant 384 : i32
    %dma_wait3A_61 = tpu.memref_slice %arg5[%dma_wait3A_60] : memref<512xi32, #tpu.memory_space<vmem>> -> memref<128xi32, #tpu.memory_space<vmem>>
    %dma_wait3A_62 = arith.constant 0 : i32
    %dma_wait3A_63 = arith.constant 0 : i32
    %dma_wait3A_64 = tpu.memref_slice %arg2[%dma_wait3A_62, %dma_wait3A_63] : memref<32768x128xi32, #tpu.memory_space<hbm>> -> memref<32768x128xi32, #tpu.memory_space<hbm>>
    tpu.wait_indirect_dma semaphore(%arg7 : memref<!tpu.dma_semaphore, #tpu.memory_space<semaphore_mem>>) src(%dma_wait3A_64 : memref<32768x128xi32, #tpu.memory_space<hbm>>) dst(%dma_wait3A_59 : memref<128x128xi32, #tpu.memory_space<vmem>>)
    "tpu.region"() ({
      %run_scoped3A = tpu.sem_alloc : memref<!tpu.dma_semaphore, #tpu.memory_space<semaphore_mem>>
      %dma_start3A_65 = arith.constant 0 : i32
      %dma_start3A_66 = tpu.memref_slice %arg4[%mul3A_2, %dma_start3A_65] : memref<16384x128xi32, #tpu.memory_space<hbm>> -> memref<512x128xi32, #tpu.memory_space<hbm>>
      %dma_start3A_67 = arith.constant 0 : i32
      %dma_start3A_68 = tpu.memref_slice %arg4[%mul3A_2, %dma_start3A_67] : memref<16384x128xi32, #tpu.memory_space<hbm>> -> memref<512x128xi32, #tpu.memory_space<hbm>>
      tpu.enqueue_dma source(%arg6 : memref<512x128xi32, #tpu.memory_space<vmem>>) target(%dma_start3A_68 : memref<512x128xi32, #tpu.memory_space<hbm>>) target_semaphore(%run_scoped3A : memref<!tpu.dma_semaphore, #tpu.memory_space<semaphore_mem>>)
      %dma_wait3A_69 = arith.constant 0 : i32
      %dma_wait3A_70 = tpu.memref_slice %arg4[%mul3A_2, %dma_wait3A_69] : memref<16384x128xi32, #tpu.memory_space<hbm>> -> memref<512x128xi32, #tpu.memory_space<hbm>>
      %dma_wait3A_71 = arith.constant 0 : i32
      %dma_wait3A_72 = tpu.memref_slice %arg4[%mul3A_2, %dma_wait3A_71] : memref<16384x128xi32, #tpu.memory_space<hbm>> -> memref<512x128xi32, #tpu.memory_space<hbm>>
      tpu.wait_dma2 semaphore(%run_scoped3A : memref<!tpu.dma_semaphore, #tpu.memory_space<semaphore_mem>>) src(%arg6 : memref<512x128xi32, #tpu.memory_space<vmem>>) dst(%dma_wait3A_72 : memref<512x128xi32, #tpu.memory_space<hbm>>)
      tpu.yield
    }) : () -> ()
    return
  }
}

module attributes {stable_mosaic.version = 14 : i64} {
  func.func @_pack_body(%arg0: i32, %arg1: memref<64x8192xf32, #tpu.memory_space<vmem>>, %arg2: memref<64x8192xf32, #tpu.memory_space<vmem>>, %arg3: memref<64x8192xf32, #tpu.memory_space<vmem>>, %arg4: memref<64x8192xf32, #tpu.memory_space<vmem>>, %arg5: memref<64x64xf32, #tpu.memory_space<vmem>>, %arg6: memref<8192x128xi32, #tpu.memory_space<vmem>>) attributes {dimension_semantics = [#tpu.dimension_semantics<parallel>], iteration_bounds = array<i64: 4>, scalar_prefetch = 0 : i64, scratch_operands = 0 : i64, tpu.core_type = #tpu.core_type<tc>, window_params = [{transform_indices = @transform_0, window_bounds = array<i64: 64, 8192>}, {transform_indices = @transform_1, window_bounds = array<i64: 64, 8192>}, {transform_indices = @transform_2, window_bounds = array<i64: 64, 8192>}, {transform_indices = @transform_3, window_bounds = array<i64: 64, 8192>}, {pipeline_mode = #tpu.pipeline_mode<synchronous>, transform_indices = @transform_4, window_bounds = array<i64: 64, 64>}, {transform_indices = @transform_5, window_bounds = array<i64: 8192, 128>}]} {
    %get3A = arith.constant 0 : index
    %get3A_0 = arith.constant 0 : index
    %get3A_1 = vector.load %arg5[%get3A, %get3A_0] : memref<64x64xf32, #tpu.memory_space<vmem>>, vector<64x64xf32>
    %get3A_2 = arith.constant 0 : index
    %get3A_3 = arith.constant 0 : index
    %get3A_4 = vector.load %arg1[%get3A_2, %get3A_3] : memref<64x8192xf32, #tpu.memory_space<vmem>>, vector<64x8192xf32>
    %dot_general3A = arith.constant dense<0.000000e+00> : vector<8192x64xf32>
    %dot_general3A_5 = tpu.matmul %get3A_4, %get3A_1, %dot_general3A {dimension_numbers = #tpu.dot_dimension_numbers<[0], [0], [1], [1], [0, 1, 1, 1], [], []>, transpose_lhs_hint = false} : vector<64x8192xf32>, vector<64x64xf32>, vector<8192x64xf32> -> vector<8192x64xf32>
    %bitcast_convert_type3A = tpu.bitcast %dot_general3A_5 : vector<8192x64xf32> -> vector<8192x64xi32>
    %add3A = arith.constant 32767 : i32
    %add3A_6 = vector.broadcast %add3A : i32 to vector<8192x64xi32>
    %add3A_7 = arith.addi %bitcast_convert_type3A, %add3A_6 : vector<8192x64xi32>
    %shift_right_logical3A = arith.constant 16 : i32
    %shift_right_logical3A_8 = vector.broadcast %shift_right_logical3A : i32 to vector<8192x64xi32>
    %shift_right_logical3A_9 = arith.shrui %bitcast_convert_type3A, %shift_right_logical3A_8 : vector<8192x64xi32>
    %and3A = arith.constant 1 : i32
    %and3A_10 = vector.broadcast %and3A : i32 to vector<8192x64xi32>
    %and3A_11 = arith.andi %shift_right_logical3A_9, %and3A_10 : vector<8192x64xi32>
    %add3A_12 = arith.addi %add3A_7, %and3A_11 : vector<8192x64xi32>
    %shift_right_logical3A_13 = arith.constant 16 : i32
    %shift_right_logical3A_14 = vector.broadcast %shift_right_logical3A_13 : i32 to vector<8192x64xi32>
    %shift_right_logical3A_15 = arith.shrui %add3A_12, %shift_right_logical3A_14 : vector<8192x64xi32>
    %get3A_16 = arith.constant 0 : index
    %get3A_17 = arith.constant 0 : index
    %get3A_18 = vector.load %arg2[%get3A_16, %get3A_17] : memref<64x8192xf32, #tpu.memory_space<vmem>>, vector<64x8192xf32>
    %dot_general3A_19 = arith.constant dense<0.000000e+00> : vector<8192x64xf32>
    %dot_general3A_20 = tpu.matmul %get3A_18, %get3A_1, %dot_general3A_19 {dimension_numbers = #tpu.dot_dimension_numbers<[0], [0], [1], [1], [0, 1, 1, 1], [], []>, transpose_lhs_hint = false} : vector<64x8192xf32>, vector<64x64xf32>, vector<8192x64xf32> -> vector<8192x64xf32>
    %bitcast_convert_type3A_21 = tpu.bitcast %dot_general3A_20 : vector<8192x64xf32> -> vector<8192x64xi32>
    %add3A_22 = arith.constant 32767 : i32
    %add3A_23 = vector.broadcast %add3A_22 : i32 to vector<8192x64xi32>
    %add3A_24 = arith.addi %bitcast_convert_type3A_21, %add3A_23 : vector<8192x64xi32>
    %shift_right_logical3A_25 = arith.constant 16 : i32
    %shift_right_logical3A_26 = vector.broadcast %shift_right_logical3A_25 : i32 to vector<8192x64xi32>
    %shift_right_logical3A_27 = arith.shrui %bitcast_convert_type3A_21, %shift_right_logical3A_26 : vector<8192x64xi32>
    %and3A_28 = arith.constant 1 : i32
    %and3A_29 = vector.broadcast %and3A_28 : i32 to vector<8192x64xi32>
    %and3A_30 = arith.andi %shift_right_logical3A_27, %and3A_29 : vector<8192x64xi32>
    %add3A_31 = arith.addi %add3A_24, %and3A_30 : vector<8192x64xi32>
    %shift_right_logical3A_32 = arith.constant 16 : i32
    %shift_right_logical3A_33 = vector.broadcast %shift_right_logical3A_32 : i32 to vector<8192x64xi32>
    %shift_right_logical3A_34 = arith.shrui %add3A_31, %shift_right_logical3A_33 : vector<8192x64xi32>
    %get3A_35 = arith.constant 0 : index
    %get3A_36 = arith.constant 0 : index
    %get3A_37 = vector.load %arg3[%get3A_35, %get3A_36] : memref<64x8192xf32, #tpu.memory_space<vmem>>, vector<64x8192xf32>
    %dot_general3A_38 = arith.constant dense<0.000000e+00> : vector<8192x64xf32>
    %dot_general3A_39 = tpu.matmul %get3A_37, %get3A_1, %dot_general3A_38 {dimension_numbers = #tpu.dot_dimension_numbers<[0], [0], [1], [1], [0, 1, 1, 1], [], []>, transpose_lhs_hint = false} : vector<64x8192xf32>, vector<64x64xf32>, vector<8192x64xf32> -> vector<8192x64xf32>
    %bitcast_convert_type3A_40 = tpu.bitcast %dot_general3A_39 : vector<8192x64xf32> -> vector<8192x64xi32>
    %add3A_41 = arith.constant 32767 : i32
    %add3A_42 = vector.broadcast %add3A_41 : i32 to vector<8192x64xi32>
    %add3A_43 = arith.addi %bitcast_convert_type3A_40, %add3A_42 : vector<8192x64xi32>
    %shift_right_logical3A_44 = arith.constant 16 : i32
    %shift_right_logical3A_45 = vector.broadcast %shift_right_logical3A_44 : i32 to vector<8192x64xi32>
    %shift_right_logical3A_46 = arith.shrui %bitcast_convert_type3A_40, %shift_right_logical3A_45 : vector<8192x64xi32>
    %and3A_47 = arith.constant 1 : i32
    %and3A_48 = vector.broadcast %and3A_47 : i32 to vector<8192x64xi32>
    %and3A_49 = arith.andi %shift_right_logical3A_46, %and3A_48 : vector<8192x64xi32>
    %add3A_50 = arith.addi %add3A_43, %and3A_49 : vector<8192x64xi32>
    %shift_right_logical3A_51 = arith.constant 16 : i32
    %shift_right_logical3A_52 = vector.broadcast %shift_right_logical3A_51 : i32 to vector<8192x64xi32>
    %shift_right_logical3A_53 = arith.shrui %add3A_50, %shift_right_logical3A_52 : vector<8192x64xi32>
    %get3A_54 = arith.constant 0 : index
    %get3A_55 = arith.constant 0 : index
    %get3A_56 = vector.load %arg4[%get3A_54, %get3A_55] : memref<64x8192xf32, #tpu.memory_space<vmem>>, vector<64x8192xf32>
    %dot_general3A_57 = arith.constant dense<0.000000e+00> : vector<8192x64xf32>
    %dot_general3A_58 = tpu.matmul %get3A_56, %get3A_1, %dot_general3A_57 {dimension_numbers = #tpu.dot_dimension_numbers<[0], [0], [1], [1], [0, 1, 1, 1], [], []>, transpose_lhs_hint = false} : vector<64x8192xf32>, vector<64x64xf32>, vector<8192x64xf32> -> vector<8192x64xf32>
    %bitcast_convert_type3A_59 = tpu.bitcast %dot_general3A_58 : vector<8192x64xf32> -> vector<8192x64xi32>
    %add3A_60 = arith.constant 32767 : i32
    %add3A_61 = vector.broadcast %add3A_60 : i32 to vector<8192x64xi32>
    %add3A_62 = arith.addi %bitcast_convert_type3A_59, %add3A_61 : vector<8192x64xi32>
    %shift_right_logical3A_63 = arith.constant 16 : i32
    %shift_right_logical3A_64 = vector.broadcast %shift_right_logical3A_63 : i32 to vector<8192x64xi32>
    %shift_right_logical3A_65 = arith.shrui %bitcast_convert_type3A_59, %shift_right_logical3A_64 : vector<8192x64xi32>
    %and3A_66 = arith.constant 1 : i32
    %and3A_67 = vector.broadcast %and3A_66 : i32 to vector<8192x64xi32>
    %and3A_68 = arith.andi %shift_right_logical3A_65, %and3A_67 : vector<8192x64xi32>
    %add3A_69 = arith.addi %add3A_62, %and3A_68 : vector<8192x64xi32>
    %shift_right_logical3A_70 = arith.constant 16 : i32
    %shift_right_logical3A_71 = vector.broadcast %shift_right_logical3A_70 : i32 to vector<8192x64xi32>
    %shift_right_logical3A_72 = arith.shrui %add3A_69, %shift_right_logical3A_71 : vector<8192x64xi32>
    %shift_left3A = arith.constant 16 : i32
    %shift_left3A_73 = vector.broadcast %shift_left3A : i32 to vector<8192x64xi32>
    %shift_left3A_74 = arith.shli %shift_right_logical3A_34, %shift_left3A_73 : vector<8192x64xi32>
    %or3A = arith.ori %shift_right_logical3A_15, %shift_left3A_74 : vector<8192x64xi32>
    %swap3A = arith.constant 0 : index
    %swap3A_75 = arith.constant 0 : index
    %swap3A_76 = vector.load %arg6[%swap3A, %swap3A_75] : memref<8192x128xi32, #tpu.memory_space<vmem>>, vector<8192x64xi32>
    tpu.vector_store %arg6[%swap3A, %swap3A_75], %or3A {strides = array<i32>} : memref<8192x128xi32, #tpu.memory_space<vmem>>, vector<8192x64xi32>,
    %shift_left3A_77 = arith.constant 16 : i32
    %shift_left3A_78 = vector.broadcast %shift_left3A_77 : i32 to vector<8192x64xi32>
    %shift_left3A_79 = arith.shli %shift_right_logical3A_72, %shift_left3A_78 : vector<8192x64xi32>
    %or3A_80 = arith.ori %shift_right_logical3A_53, %shift_left3A_79 : vector<8192x64xi32>
    %swap3A_81 = arith.constant 0 : index
    %swap3A_82 = arith.constant 64 : index
    %swap3A_83 = vector.load %arg6[%swap3A_81, %swap3A_82] : memref<8192x128xi32, #tpu.memory_space<vmem>>, vector<8192x64xi32>
    tpu.vector_store %arg6[%swap3A_81, %swap3A_82], %or3A_80 {strides = array<i32>} : memref<8192x128xi32, #tpu.memory_space<vmem>>, vector<8192x64xi32>,
    return
  }
  func.func @transform_0(%arg0: i32) -> (i32, i32) {
    %mul3A = arith.constant 4 : i32
    %mul3A_0 = arith.muli %mul3A, %arg0 : i32
    %add3A = arith.constant 0 : i32
    %add3A_1 = arith.addi %mul3A_0, %add3A : i32
    %min3A = arith.constant 12 : i32
    %min3A_2 = arith.minsi %add3A_1, %min3A : i32
    %c0_i32 = arith.constant 0 : i32
    %c0_i32_3 = arith.constant 0 : i32
    return %c0_i32, %min3A_2 : i32, i32
  }
  func.func @transform_1(%arg0: i32) -> (i32, i32) {
    %mul3A = arith.constant 4 : i32
    %mul3A_0 = arith.muli %mul3A, %arg0 : i32
    %add3A = arith.constant 1 : i32
    %add3A_1 = arith.addi %mul3A_0, %add3A : i32
    %min3A = arith.constant 12 : i32
    %min3A_2 = arith.minsi %add3A_1, %min3A : i32
    %c0_i32 = arith.constant 0 : i32
    %c0_i32_3 = arith.constant 0 : i32
    return %c0_i32, %min3A_2 : i32, i32
  }
  func.func @transform_2(%arg0: i32) -> (i32, i32) {
    %mul3A = arith.constant 4 : i32
    %mul3A_0 = arith.muli %mul3A, %arg0 : i32
    %add3A = arith.constant 2 : i32
    %add3A_1 = arith.addi %mul3A_0, %add3A : i32
    %min3A = arith.constant 12 : i32
    %min3A_2 = arith.minsi %add3A_1, %min3A : i32
    %c0_i32 = arith.constant 0 : i32
    %c0_i32_3 = arith.constant 0 : i32
    return %c0_i32, %min3A_2 : i32, i32
  }
  func.func @transform_3(%arg0: i32) -> (i32, i32) {
    %mul3A = arith.constant 4 : i32
    %mul3A_0 = arith.muli %mul3A, %arg0 : i32
    %add3A = arith.constant 3 : i32
    %add3A_1 = arith.addi %mul3A_0, %add3A : i32
    %min3A = arith.constant 12 : i32
    %min3A_2 = arith.minsi %add3A_1, %min3A : i32
    %c0_i32 = arith.constant 0 : i32
    %c0_i32_3 = arith.constant 0 : i32
    return %c0_i32, %min3A_2 : i32, i32
  }
  func.func @transform_4(%arg0: i32) -> (i32, i32) {
    %c0_i32 = arith.constant 0 : i32
    %c0_i32_0 = arith.constant 0 : i32
    %c0_i32_1 = arith.constant 0 : i32
    return %c0_i32, %c0_i32_0 : i32, i32
  }
  func.func @transform_5(%arg0: i32) -> (i32, i32) {
    %c0_i32 = arith.constant 0 : i32
    %c0_i32_0 = arith.constant 0 : i32
    return %arg0, %c0_i32 : i32, i32
  }
}

module attributes {stable_mosaic.version = 14 : i64} {
  func.func @_pack_body(%arg0: i32, %arg1: memref<64x8192xf32, #tpu.memory_space<vmem>>, %arg2: memref<64x8192xf32, #tpu.memory_space<vmem>>, %arg3: memref<64x8192xf32, #tpu.memory_space<vmem>>, %arg4: memref<64x8192xf32, #tpu.memory_space<vmem>>, %arg5: memref<64x64xf32, #tpu.memory_space<vmem>>, %arg6: memref<8192x128xi32, #tpu.memory_space<vmem>>) attributes {dimension_semantics = [#tpu.dimension_semantics<parallel>], iteration_bounds = array<i64: 31>, scalar_prefetch = 0 : i64, scratch_operands = 0 : i64, tpu.core_type = #tpu.core_type<tc>, window_params = [{transform_indices = @transform_0, window_bounds = array<i64: 64, 8192>}, {transform_indices = @transform_1, window_bounds = array<i64: 64, 8192>}, {transform_indices = @transform_2, window_bounds = array<i64: 64, 8192>}, {transform_indices = @transform_3, window_bounds = array<i64: 64, 8192>}, {pipeline_mode = #tpu.pipeline_mode<synchronous>, transform_indices = @transform_4, window_bounds = array<i64: 64, 64>}, {transform_indices = @transform_5, window_bounds = array<i64: 8192, 128>}]} {
    %get3A = arith.constant 0 : index
    %get3A_0 = arith.constant 0 : index
    %get3A_1 = vector.load %arg5[%get3A, %get3A_0] : memref<64x64xf32, #tpu.memory_space<vmem>>, vector<64x64xf32>
    %get3A_2 = arith.constant 0 : index
    %get3A_3 = arith.constant 0 : index
    %get3A_4 = vector.load %arg1[%get3A_2, %get3A_3] : memref<64x8192xf32, #tpu.memory_space<vmem>>, vector<64x8192xf32>
    %dot_general3A = arith.constant dense<0.000000e+00> : vector<8192x64xf32>
    %dot_general3A_5 = tpu.matmul %get3A_4, %get3A_1, %dot_general3A {dimension_numbers = #tpu.dot_dimension_numbers<[0], [0], [1], [1], [0, 1, 1, 1], [], []>, transpose_lhs_hint = false} : vector<64x8192xf32>, vector<64x64xf32>, vector<8192x64xf32> -> vector<8192x64xf32>
    %bitcast_convert_type3A = tpu.bitcast %dot_general3A_5 : vector<8192x64xf32> -> vector<8192x64xi32>
    %add3A = arith.constant 32767 : i32
    %add3A_6 = vector.broadcast %add3A : i32 to vector<8192x64xi32>
    %add3A_7 = arith.addi %bitcast_convert_type3A, %add3A_6 : vector<8192x64xi32>
    %shift_right_logical3A = arith.constant 16 : i32
    %shift_right_logical3A_8 = vector.broadcast %shift_right_logical3A : i32 to vector<8192x64xi32>
    %shift_right_logical3A_9 = arith.shrui %bitcast_convert_type3A, %shift_right_logical3A_8 : vector<8192x64xi32>
    %and3A = arith.constant 1 : i32
    %and3A_10 = vector.broadcast %and3A : i32 to vector<8192x64xi32>
    %and3A_11 = arith.andi %shift_right_logical3A_9, %and3A_10 : vector<8192x64xi32>
    %add3A_12 = arith.addi %add3A_7, %and3A_11 : vector<8192x64xi32>
    %shift_right_logical3A_13 = arith.constant 16 : i32
    %shift_right_logical3A_14 = vector.broadcast %shift_right_logical3A_13 : i32 to vector<8192x64xi32>
    %shift_right_logical3A_15 = arith.shrui %add3A_12, %shift_right_logical3A_14 : vector<8192x64xi32>
    %get3A_16 = arith.constant 0 : index
    %get3A_17 = arith.constant 0 : index
    %get3A_18 = vector.load %arg2[%get3A_16, %get3A_17] : memref<64x8192xf32, #tpu.memory_space<vmem>>, vector<64x8192xf32>
    %dot_general3A_19 = arith.constant dense<0.000000e+00> : vector<8192x64xf32>
    %dot_general3A_20 = tpu.matmul %get3A_18, %get3A_1, %dot_general3A_19 {dimension_numbers = #tpu.dot_dimension_numbers<[0], [0], [1], [1], [0, 1, 1, 1], [], []>, transpose_lhs_hint = false} : vector<64x8192xf32>, vector<64x64xf32>, vector<8192x64xf32> -> vector<8192x64xf32>
    %bitcast_convert_type3A_21 = tpu.bitcast %dot_general3A_20 : vector<8192x64xf32> -> vector<8192x64xi32>
    %add3A_22 = arith.constant 32767 : i32
    %add3A_23 = vector.broadcast %add3A_22 : i32 to vector<8192x64xi32>
    %add3A_24 = arith.addi %bitcast_convert_type3A_21, %add3A_23 : vector<8192x64xi32>
    %shift_right_logical3A_25 = arith.constant 16 : i32
    %shift_right_logical3A_26 = vector.broadcast %shift_right_logical3A_25 : i32 to vector<8192x64xi32>
    %shift_right_logical3A_27 = arith.shrui %bitcast_convert_type3A_21, %shift_right_logical3A_26 : vector<8192x64xi32>
    %and3A_28 = arith.constant 1 : i32
    %and3A_29 = vector.broadcast %and3A_28 : i32 to vector<8192x64xi32>
    %and3A_30 = arith.andi %shift_right_logical3A_27, %and3A_29 : vector<8192x64xi32>
    %add3A_31 = arith.addi %add3A_24, %and3A_30 : vector<8192x64xi32>
    %shift_right_logical3A_32 = arith.constant 16 : i32
    %shift_right_logical3A_33 = vector.broadcast %shift_right_logical3A_32 : i32 to vector<8192x64xi32>
    %shift_right_logical3A_34 = arith.shrui %add3A_31, %shift_right_logical3A_33 : vector<8192x64xi32>
    %get3A_35 = arith.constant 0 : index
    %get3A_36 = arith.constant 0 : index
    %get3A_37 = vector.load %arg3[%get3A_35, %get3A_36] : memref<64x8192xf32, #tpu.memory_space<vmem>>, vector<64x8192xf32>
    %dot_general3A_38 = arith.constant dense<0.000000e+00> : vector<8192x64xf32>
    %dot_general3A_39 = tpu.matmul %get3A_37, %get3A_1, %dot_general3A_38 {dimension_numbers = #tpu.dot_dimension_numbers<[0], [0], [1], [1], [0, 1, 1, 1], [], []>, transpose_lhs_hint = false} : vector<64x8192xf32>, vector<64x64xf32>, vector<8192x64xf32> -> vector<8192x64xf32>
    %bitcast_convert_type3A_40 = tpu.bitcast %dot_general3A_39 : vector<8192x64xf32> -> vector<8192x64xi32>
    %add3A_41 = arith.constant 32767 : i32
    %add3A_42 = vector.broadcast %add3A_41 : i32 to vector<8192x64xi32>
    %add3A_43 = arith.addi %bitcast_convert_type3A_40, %add3A_42 : vector<8192x64xi32>
    %shift_right_logical3A_44 = arith.constant 16 : i32
    %shift_right_logical3A_45 = vector.broadcast %shift_right_logical3A_44 : i32 to vector<8192x64xi32>
    %shift_right_logical3A_46 = arith.shrui %bitcast_convert_type3A_40, %shift_right_logical3A_45 : vector<8192x64xi32>
    %and3A_47 = arith.constant 1 : i32
    %and3A_48 = vector.broadcast %and3A_47 : i32 to vector<8192x64xi32>
    %and3A_49 = arith.andi %shift_right_logical3A_46, %and3A_48 : vector<8192x64xi32>
    %add3A_50 = arith.addi %add3A_43, %and3A_49 : vector<8192x64xi32>
    %shift_right_logical3A_51 = arith.constant 16 : i32
    %shift_right_logical3A_52 = vector.broadcast %shift_right_logical3A_51 : i32 to vector<8192x64xi32>
    %shift_right_logical3A_53 = arith.shrui %add3A_50, %shift_right_logical3A_52 : vector<8192x64xi32>
    %get3A_54 = arith.constant 0 : index
    %get3A_55 = arith.constant 0 : index
    %get3A_56 = vector.load %arg4[%get3A_54, %get3A_55] : memref<64x8192xf32, #tpu.memory_space<vmem>>, vector<64x8192xf32>
    %dot_general3A_57 = arith.constant dense<0.000000e+00> : vector<8192x64xf32>
    %dot_general3A_58 = tpu.matmul %get3A_56, %get3A_1, %dot_general3A_57 {dimension_numbers = #tpu.dot_dimension_numbers<[0], [0], [1], [1], [0, 1, 1, 1], [], []>, transpose_lhs_hint = false} : vector<64x8192xf32>, vector<64x64xf32>, vector<8192x64xf32> -> vector<8192x64xf32>
    %bitcast_convert_type3A_59 = tpu.bitcast %dot_general3A_58 : vector<8192x64xf32> -> vector<8192x64xi32>
    %add3A_60 = arith.constant 32767 : i32
    %add3A_61 = vector.broadcast %add3A_60 : i32 to vector<8192x64xi32>
    %add3A_62 = arith.addi %bitcast_convert_type3A_59, %add3A_61 : vector<8192x64xi32>
    %shift_right_logical3A_63 = arith.constant 16 : i32
    %shift_right_logical3A_64 = vector.broadcast %shift_right_logical3A_63 : i32 to vector<8192x64xi32>
    %shift_right_logical3A_65 = arith.shrui %bitcast_convert_type3A_59, %shift_right_logical3A_64 : vector<8192x64xi32>
    %and3A_66 = arith.constant 1 : i32
    %and3A_67 = vector.broadcast %and3A_66 : i32 to vector<8192x64xi32>
    %and3A_68 = arith.andi %shift_right_logical3A_65, %and3A_67 : vector<8192x64xi32>
    %add3A_69 = arith.addi %add3A_62, %and3A_68 : vector<8192x64xi32>
    %shift_right_logical3A_70 = arith.constant 16 : i32
    %shift_right_logical3A_71 = vector.broadcast %shift_right_logical3A_70 : i32 to vector<8192x64xi32>
    %shift_right_logical3A_72 = arith.shrui %add3A_69, %shift_right_logical3A_71 : vector<8192x64xi32>
    %shift_left3A = arith.constant 16 : i32
    %shift_left3A_73 = vector.broadcast %shift_left3A : i32 to vector<8192x64xi32>
    %shift_left3A_74 = arith.shli %shift_right_logical3A_34, %shift_left3A_73 : vector<8192x64xi32>
    %or3A = arith.ori %shift_right_logical3A_15, %shift_left3A_74 : vector<8192x64xi32>
    %swap3A = arith.constant 0 : index
    %swap3A_75 = arith.constant 0 : index
    %swap3A_76 = vector.load %arg6[%swap3A, %swap3A_75] : memref<8192x128xi32, #tpu.memory_space<vmem>>, vector<8192x64xi32>
    tpu.vector_store %arg6[%swap3A, %swap3A_75], %or3A {strides = array<i32>} : memref<8192x128xi32, #tpu.memory_space<vmem>>, vector<8192x64xi32>,
    %shift_left3A_77 = arith.constant 16 : i32
    %shift_left3A_78 = vector.broadcast %shift_left3A_77 : i32 to vector<8192x64xi32>
    %shift_left3A_79 = arith.shli %shift_right_logical3A_72, %shift_left3A_78 : vector<8192x64xi32>
    %or3A_80 = arith.ori %shift_right_logical3A_53, %shift_left3A_79 : vector<8192x64xi32>
    %swap3A_81 = arith.constant 0 : index
    %swap3A_82 = arith.constant 64 : index
    %swap3A_83 = vector.load %arg6[%swap3A_81, %swap3A_82] : memref<8192x128xi32, #tpu.memory_space<vmem>>, vector<8192x64xi32>
    tpu.vector_store %arg6[%swap3A_81, %swap3A_82], %or3A_80 {strides = array<i32>} : memref<8192x128xi32, #tpu.memory_space<vmem>>, vector<8192x64xi32>,
    return
  }
  func.func @transform_0(%arg0: i32) -> (i32, i32) {
    %mul3A = arith.constant 4 : i32
    %mul3A_0 = arith.muli %mul3A, %arg0 : i32
    %add3A = arith.constant 0 : i32
    %add3A_1 = arith.addi %mul3A_0, %add3A : i32
    %min3A = arith.constant 122 : i32
    %min3A_2 = arith.minsi %add3A_1, %min3A : i32
    %c0_i32 = arith.constant 0 : i32
    %c0_i32_3 = arith.constant 0 : i32
    return %c0_i32, %min3A_2 : i32, i32
  }
  func.func @transform_1(%arg0: i32) -> (i32, i32) {
    %mul3A = arith.constant 4 : i32
    %mul3A_0 = arith.muli %mul3A, %arg0 : i32
    %add3A = arith.constant 1 : i32
    %add3A_1 = arith.addi %mul3A_0, %add3A : i32
    %min3A = arith.constant 122 : i32
    %min3A_2 = arith.minsi %add3A_1, %min3A : i32
    %c0_i32 = arith.constant 0 : i32
    %c0_i32_3 = arith.constant 0 : i32
    return %c0_i32, %min3A_2 : i32, i32
  }
  func.func @transform_2(%arg0: i32) -> (i32, i32) {
    %mul3A = arith.constant 4 : i32
    %mul3A_0 = arith.muli %mul3A, %arg0 : i32
    %add3A = arith.constant 2 : i32
    %add3A_1 = arith.addi %mul3A_0, %add3A : i32
    %min3A = arith.constant 122 : i32
    %min3A_2 = arith.minsi %add3A_1, %min3A : i32
    %c0_i32 = arith.constant 0 : i32
    %c0_i32_3 = arith.constant 0 : i32
    return %c0_i32, %min3A_2 : i32, i32
  }
  func.func @transform_3(%arg0: i32) -> (i32, i32) {
    %mul3A = arith.constant 4 : i32
    %mul3A_0 = arith.muli %mul3A, %arg0 : i32
    %add3A = arith.constant 3 : i32
    %add3A_1 = arith.addi %mul3A_0, %add3A : i32
    %min3A = arith.constant 122 : i32
    %min3A_2 = arith.minsi %add3A_1, %min3A : i32
    %c0_i32 = arith.constant 0 : i32
    %c0_i32_3 = arith.constant 0 : i32
    return %c0_i32, %min3A_2 : i32, i32
  }
  func.func @transform_4(%arg0: i32) -> (i32, i32) {
    %c0_i32 = arith.constant 0 : i32
    %c0_i32_0 = arith.constant 0 : i32
    %c0_i32_1 = arith.constant 0 : i32
    return %c0_i32, %c0_i32_0 : i32, i32
  }
  func.func @transform_5(%arg0: i32) -> (i32, i32) {
    %c0_i32 = arith.constant 0 : i32
    %c0_i32_0 = arith.constant 0 : i32
    return %arg0, %c0_i32 : i32, i32
  }
}

module attributes {stable_mosaic.version = 14 : i64} {
  func.func @_mlp_body(%arg0: i32, %arg1: memref<2048x1xi32, #tpu.memory_space<vmem>>, %arg2: memref<2048x1xi32, #tpu.memory_space<vmem>>, %arg3: memref<2048x128xi32, #tpu.memory_space<vmem>>, %arg4: memref<2048x128xi32, #tpu.memory_space<vmem>>, %arg5: memref<64x256xf32, #tpu.memory_space<vmem>>, %arg6: memref<64x256xf32, #tpu.memory_space<vmem>>, %arg7: memref<1x256xf32, #tpu.memory_space<vmem>>, %arg8: memref<256x128xf32, #tpu.memory_space<vmem>>, %arg9: memref<1x128xf32, #tpu.memory_space<vmem>>, %arg10: memref<128x64xf32, #tpu.memory_space<vmem>>, %arg11: memref<1x64xf32, #tpu.memory_space<vmem>>, %arg12: memref<1x64xf32, #tpu.memory_space<vmem>>, %arg13: memref<1x1xf32, #tpu.memory_space<vmem>>, %arg14: memref<2048x1xf32, #tpu.memory_space<vmem>>) attributes {dimension_semantics = [#tpu.dimension_semantics<parallel>], iteration_bounds = array<i64: 8>, scalar_prefetch = 0 : i64, scratch_operands = 0 : i64, tpu.core_type = #tpu.core_type<tc>, window_params = [{transform_indices = @transform_0, window_bounds = array<i64: 2048, 1>}, {transform_indices = @transform_1, window_bounds = array<i64: 2048, 1>}, {transform_indices = @transform_2, window_bounds = array<i64: 2048, 128>}, {transform_indices = @transform_3, window_bounds = array<i64: 2048, 128>}, {pipeline_mode = #tpu.pipeline_mode<synchronous>, transform_indices = @transform_4, window_bounds = array<i64: 64, 256>}, {pipeline_mode = #tpu.pipeline_mode<synchronous>, transform_indices = @transform_5, window_bounds = array<i64: 64, 256>}, {pipeline_mode = #tpu.pipeline_mode<synchronous>, transform_indices = @transform_6, window_bounds = array<i64: 1, 256>}, {pipeline_mode = #tpu.pipeline_mode<synchronous>, transform_indices = @transform_7, window_bounds = array<i64: 256, 128>}, {pipeline_mode = #tpu.pipeline_mode<synchronous>, transform_indices = @transform_8, window_bounds = array<i64: 1, 128>}, {pipeline_mode = #tpu.pipeline_mode<synchronous>, transform_indices = @transform_9, window_bounds = array<i64: 128, 64>}, {pipeline_mode = #tpu.pipeline_mode<synchronous>, transform_indices = @transform_10, window_bounds = array<i64: 1, 64>}, {pipeline_mode = #tpu.pipeline_mode<synchronous>, transform_indices = @transform_11, window_bounds = array<i64: 1, 64>}, {pipeline_mode = #tpu.pipeline_mode<synchronous>, transform_indices = @transform_12, window_bounds = array<i64: 1, 1>}, {transform_indices = @transform_13, window_bounds = array<i64: 2048, 1>}]} {
    %get3A = arith.constant 0 : index
    %get3A_0 = arith.constant 0 : index
    %get3A_1 = vector.load %arg3[%get3A, %get3A_0] : memref<2048x128xi32, #tpu.memory_space<vmem>>, vector<2048x128xi32>
    %get3A_2 = arith.constant 0 : index
    %get3A_3 = arith.constant 0 : index
    %get3A_4 = vector.load %arg1[%get3A_2, %get3A_3] : memref<2048x1xi32, #tpu.memory_space<vmem>>, vector<2048x1xi32>
    %and3A = arith.constant 16384 : i32
    %and3A_5 = vector.broadcast %and3A : i32 to vector<2048x1xi32>
    %and3A_6 = arith.andi %get3A_4, %and3A_5 : vector<2048x1xi32>
    %eq3A = arith.constant 16384 : i32
    %eq3A_7 = vector.broadcast %eq3A : i32 to vector<2048x1xi32>
    %eq3A_8 = arith.cmpi eq, %and3A_6, %eq3A_7 : vector<2048x1xi32>
    %slice3A = vector.extract_strided_slice %get3A_1 {offsets = [0, 64], sizes = [2048, 64], strides = [1, 1]} : vector<2048x128xi32> to vector<2048x64xi32>
    %slice3A_9 = vector.extract_strided_slice %get3A_1 {offsets = [0, 0], sizes = [2048, 64], strides = [1, 1]} : vector<2048x128xi32> to vector<2048x64xi32>
    %broadcast_in_dim3A = vector.shape_cast %eq3A_8 : vector<2048x1xi1> to vector<2048x1xi1>
    %broadcast_in_dim3A_10 = vector.broadcast %broadcast_in_dim3A : vector<2048x1xi1> to vector<2048x64xi1>
    %select_n3A = arith.select %broadcast_in_dim3A_10, %slice3A, %slice3A_9 : vector<2048x64xi1>, vector<2048x64xi32>
    %get3A_11 = arith.constant 0 : index
    %get3A_12 = arith.constant 0 : index
    %get3A_13 = vector.load %arg1[%get3A_11, %get3A_12] : memref<2048x1xi32, #tpu.memory_space<vmem>>, vector<2048x1xi32>
    %and3A_14 = arith.constant 8192 : i32
    %and3A_15 = vector.broadcast %and3A_14 : i32 to vector<2048x1xi32>
    %and3A_16 = arith.andi %get3A_13, %and3A_15 : vector<2048x1xi32>
    %eq3A_17 = arith.constant 8192 : i32
    %eq3A_18 = vector.broadcast %eq3A_17 : i32 to vector<2048x1xi32>
    %eq3A_19 = arith.cmpi eq, %and3A_16, %eq3A_18 : vector<2048x1xi32>
    %and3A_20 = arith.constant -65536 : i32
    %and3A_21 = vector.broadcast %and3A_20 : i32 to vector<2048x64xi32>
    %and3A_22 = arith.andi %select_n3A, %and3A_21 : vector<2048x64xi32>
    %shift_left3A = arith.constant 16 : i32
    %shift_left3A_23 = vector.broadcast %shift_left3A : i32 to vector<2048x64xi32>
    %shift_left3A_24 = arith.shli %select_n3A, %shift_left3A_23 : vector<2048x64xi32>
    %broadcast_in_dim3A_25 = vector.shape_cast %eq3A_19 : vector<2048x1xi1> to vector<2048x1xi1>
    %broadcast_in_dim3A_26 = vector.broadcast %broadcast_in_dim3A_25 : vector<2048x1xi1> to vector<2048x64xi1>
    %select_n3A_27 = arith.select %broadcast_in_dim3A_26, %and3A_22, %shift_left3A_24 : vector<2048x64xi1>, vector<2048x64xi32>
    %bitcast_convert_type3A = tpu.bitcast %select_n3A_27 : vector<2048x64xi32> -> vector<2048x64xf32>
    %get3A_28 = arith.constant 0 : index
    %get3A_29 = arith.constant 0 : index
    %get3A_30 = vector.load %arg4[%get3A_28, %get3A_29] : memref<2048x128xi32, #tpu.memory_space<vmem>>, vector<2048x128xi32>
    %get3A_31 = arith.constant 0 : index
    %get3A_32 = arith.constant 0 : index
    %get3A_33 = vector.load %arg2[%get3A_31, %get3A_32] : memref<2048x1xi32, #tpu.memory_space<vmem>>, vector<2048x1xi32>
    %and3A_34 = arith.constant 16384 : i32
    %and3A_35 = vector.broadcast %and3A_34 : i32 to vector<2048x1xi32>
    %and3A_36 = arith.andi %get3A_33, %and3A_35 : vector<2048x1xi32>
    %eq3A_37 = arith.constant 16384 : i32
    %eq3A_38 = vector.broadcast %eq3A_37 : i32 to vector<2048x1xi32>
    %eq3A_39 = arith.cmpi eq, %and3A_36, %eq3A_38 : vector<2048x1xi32>
    %slice3A_40 = vector.extract_strided_slice %get3A_30 {offsets = [0, 64], sizes = [2048, 64], strides = [1, 1]} : vector<2048x128xi32> to vector<2048x64xi32>
    %slice3A_41 = vector.extract_strided_slice %get3A_30 {offsets = [0, 0], sizes = [2048, 64], strides = [1, 1]} : vector<2048x128xi32> to vector<2048x64xi32>
    %broadcast_in_dim3A_42 = vector.shape_cast %eq3A_39 : vector<2048x1xi1> to vector<2048x1xi1>
    %broadcast_in_dim3A_43 = vector.broadcast %broadcast_in_dim3A_42 : vector<2048x1xi1> to vector<2048x64xi1>
    %select_n3A_44 = arith.select %broadcast_in_dim3A_43, %slice3A_40, %slice3A_41 : vector<2048x64xi1>, vector<2048x64xi32>
    %get3A_45 = arith.constant 0 : index
    %get3A_46 = arith.constant 0 : index
    %get3A_47 = vector.load %arg2[%get3A_45, %get3A_46] : memref<2048x1xi32, #tpu.memory_space<vmem>>, vector<2048x1xi32>
    %and3A_48 = arith.constant 8192 : i32
    %and3A_49 = vector.broadcast %and3A_48 : i32 to vector<2048x1xi32>
    %and3A_50 = arith.andi %get3A_47, %and3A_49 : vector<2048x1xi32>
    %eq3A_51 = arith.constant 8192 : i32
    %eq3A_52 = vector.broadcast %eq3A_51 : i32 to vector<2048x1xi32>
    %eq3A_53 = arith.cmpi eq, %and3A_50, %eq3A_52 : vector<2048x1xi32>
    %and3A_54 = arith.constant -65536 : i32
    %and3A_55 = vector.broadcast %and3A_54 : i32 to vector<2048x64xi32>
    %and3A_56 = arith.andi %select_n3A_44, %and3A_55 : vector<2048x64xi32>
    %shift_left3A_57 = arith.constant 16 : i32
    %shift_left3A_58 = vector.broadcast %shift_left3A_57 : i32 to vector<2048x64xi32>
    %shift_left3A_59 = arith.shli %select_n3A_44, %shift_left3A_58 : vector<2048x64xi32>
    %broadcast_in_dim3A_60 = vector.shape_cast %eq3A_53 : vector<2048x1xi1> to vector<2048x1xi1>
    %broadcast_in_dim3A_61 = vector.broadcast %broadcast_in_dim3A_60 : vector<2048x1xi1> to vector<2048x64xi1>
    %select_n3A_62 = arith.select %broadcast_in_dim3A_61, %and3A_56, %shift_left3A_59 : vector<2048x64xi1>, vector<2048x64xi32>
    %bitcast_convert_type3A_63 = tpu.bitcast %select_n3A_62 : vector<2048x64xi32> -> vector<2048x64xf32>
    %get3A_64 = arith.constant 0 : index
    %get3A_65 = arith.constant 0 : index
    %get3A_66 = vector.load %arg5[%get3A_64, %get3A_65] : memref<64x256xf32, #tpu.memory_space<vmem>>, vector<64x256xf32>
    %dot_general3A = arith.constant dense<0.000000e+00> : vector<2048x256xf32>
    %dot_general3A_67 = tpu.matmul %bitcast_convert_type3A, %get3A_66, %dot_general3A {dimension_numbers = #tpu.dot_dimension_numbers<[1], [0], [0], [1], [0, 0, 1, 1], [], []>, transpose_lhs_hint = false} : vector<2048x64xf32>, vector<64x256xf32>, vector<2048x256xf32> -> vector<2048x256xf32>
    %get3A_68 = arith.constant 0 : index
    %get3A_69 = arith.constant 0 : index
    %get3A_70 = vector.load %arg6[%get3A_68, %get3A_69] : memref<64x256xf32, #tpu.memory_space<vmem>>, vector<64x256xf32>
    %dot_general3A_71 = arith.constant dense<0.000000e+00> : vector<2048x256xf32>
    %dot_general3A_72 = tpu.matmul %bitcast_convert_type3A_63, %get3A_70, %dot_general3A_71 {dimension_numbers = #tpu.dot_dimension_numbers<[1], [0], [0], [1], [0, 0, 1, 1], [], []>, transpose_lhs_hint = false} : vector<2048x64xf32>, vector<64x256xf32>, vector<2048x256xf32> -> vector<2048x256xf32>
    %add3A = arith.addf %dot_general3A_67, %dot_general3A_72 : vector<2048x256xf32>
    %get3A_73 = arith.constant 0 : index
    %get3A_74 = arith.constant 0 : index
    %get3A_75 = vector.load %arg7[%get3A_73, %get3A_74] : memref<1x256xf32, #tpu.memory_space<vmem>>, vector<1x256xf32>
    %add3A_76 = vector.broadcast %get3A_75 : vector<1x256xf32> to vector<2048x256xf32>
    %add3A_77 = arith.addf %add3A, %add3A_76 : vector<2048x256xf32>
    %max3A = arith.constant 0.000000e+00 : f32
    %max3A_78 = vector.broadcast %max3A : f32 to vector<2048x256xf32>
    %max3A_79 = arith.maximumf %add3A_77, %max3A_78 : vector<2048x256xf32>
    %get3A_80 = arith.constant 0 : index
    %get3A_81 = arith.constant 0 : index
    %get3A_82 = vector.load %arg8[%get3A_80, %get3A_81] : memref<256x128xf32, #tpu.memory_space<vmem>>, vector<256x128xf32>
    %dot_general3A_83 = arith.constant dense<0.000000e+00> : vector<2048x128xf32>
    %dot_general3A_84 = tpu.matmul %max3A_79, %get3A_82, %dot_general3A_83 {dimension_numbers = #tpu.dot_dimension_numbers<[1], [0], [0], [1], [0, 0, 1, 1], [], []>, transpose_lhs_hint = false} : vector<2048x256xf32>, vector<256x128xf32>, vector<2048x128xf32> -> vector<2048x128xf32>
    %get3A_85 = arith.constant 0 : index
    %get3A_86 = arith.constant 0 : index
    %get3A_87 = vector.load %arg9[%get3A_85, %get3A_86] : memref<1x128xf32, #tpu.memory_space<vmem>>, vector<1x128xf32>
    %add3A_88 = vector.broadcast %get3A_87 : vector<1x128xf32> to vector<2048x128xf32>
    %add3A_89 = arith.addf %dot_general3A_84, %add3A_88 : vector<2048x128xf32>
    %max3A_90 = arith.constant 0.000000e+00 : f32
    %max3A_91 = vector.broadcast %max3A_90 : f32 to vector<2048x128xf32>
    %max3A_92 = arith.maximumf %add3A_89, %max3A_91 : vector<2048x128xf32>
    %get3A_93 = arith.constant 0 : index
    %get3A_94 = arith.constant 0 : index
    %get3A_95 = vector.load %arg10[%get3A_93, %get3A_94] : memref<128x64xf32, #tpu.memory_space<vmem>>, vector<128x64xf32>
    %dot_general3A_96 = arith.constant dense<0.000000e+00> : vector<2048x64xf32>
    %dot_general3A_97 = tpu.matmul %max3A_92, %get3A_95, %dot_general3A_96 {dimension_numbers = #tpu.dot_dimension_numbers<[1], [0], [0], [1], [0, 0, 1, 1], [], []>, transpose_lhs_hint = false} : vector<2048x128xf32>, vector<128x64xf32>, vector<2048x64xf32> -> vector<2048x64xf32>
    %get3A_98 = arith.constant 0 : index
    %get3A_99 = arith.constant 0 : index
    %get3A_100 = vector.load %arg11[%get3A_98, %get3A_99] : memref<1x64xf32, #tpu.memory_space<vmem>>, vector<1x64xf32>
    %add3A_101 = vector.broadcast %get3A_100 : vector<1x64xf32> to vector<2048x64xf32>
    %add3A_102 = arith.addf %dot_general3A_97, %add3A_101 : vector<2048x64xf32>
    %max3A_103 = arith.constant 0.000000e+00 : f32
    %max3A_104 = vector.broadcast %max3A_103 : f32 to vector<2048x64xf32>
    %max3A_105 = arith.maximumf %add3A_102, %max3A_104 : vector<2048x64xf32>
    %get3A_106 = arith.constant 0 : index
    %get3A_107 = arith.constant 0 : index
    %get3A_108 = vector.load %arg12[%get3A_106, %get3A_107] : memref<1x64xf32, #tpu.memory_space<vmem>>, vector<1x64xf32>
    %mul3A = vector.broadcast %get3A_108 : vector<1x64xf32> to vector<2048x64xf32>
    %mul3A_109 = arith.mulf %max3A_105, %mul3A : vector<2048x64xf32>
    %reduce_sum3A = arith.constant dense<0.000000e+00> : vector<2048xf32>
    %reduce_sum3A_110 = vector.multi_reduction <add>, %mul3A_109, %reduce_sum3A [1] : vector<2048x64xf32> to vector<2048xf32>
    %broadcast_in_dim3A_111 = vector.shape_cast %reduce_sum3A_110 : vector<2048xf32> to vector<2048x1xf32>
    %get3A_112 = arith.constant 0 : index
    %get3A_113 = arith.constant 0 : index
    %get3A_114 = vector.load %arg13[%get3A_112, %get3A_113] : memref<1x1xf32, #tpu.memory_space<vmem>>, vector<1x1xf32>
    %get3A_115 = vector.extract %get3A_114[0, 0] : f32 from vector<1x1xf32>
    %add3A_116 = vector.broadcast %get3A_115 : f32 to vector<2048x1xf32>
    %add3A_117 = arith.addf %broadcast_in_dim3A_111, %add3A_116 : vector<2048x1xf32>
    %swap3A = arith.constant 0 : index
    %swap3A_118 = arith.constant 0 : index
    %swap3A_119 = vector.load %arg14[%swap3A, %swap3A_118] : memref<2048x1xf32, #tpu.memory_space<vmem>>, vector<2048x1xf32>
    tpu.vector_store %arg14[%swap3A, %swap3A_118], %add3A_117 {strides = array<i32>} : memref<2048x1xf32, #tpu.memory_space<vmem>>, vector<2048x1xf32>,
    return
  }
  func.func @transform_0(%arg0: i32) -> (i32, i32) {
    %c0_i32 = arith.constant 0 : i32
    %c0_i32_0 = arith.constant 0 : i32
    return %arg0, %c0_i32 : i32, i32
  }
  func.func @transform_1(%arg0: i32) -> (i32, i32) {
    %c0_i32 = arith.constant 0 : i32
    %c0_i32_0 = arith.constant 0 : i32
    return %arg0, %c0_i32 : i32, i32
  }
  func.func @transform_2(%arg0: i32) -> (i32, i32) {
    %c0_i32 = arith.constant 0 : i32
    %c0_i32_0 = arith.constant 0 : i32
    return %arg0, %c0_i32 : i32, i32
  }
  func.func @transform_3(%arg0: i32) -> (i32, i32) {
    %c0_i32 = arith.constant 0 : i32
    %c0_i32_0 = arith.constant 0 : i32
    return %arg0, %c0_i32 : i32, i32
  }
  func.func @transform_4(%arg0: i32) -> (i32, i32) {
    %c0_i32 = arith.constant 0 : i32
    %c0_i32_0 = arith.constant 0 : i32
    %c0_i32_1 = arith.constant 0 : i32
    return %c0_i32, %c0_i32_0 : i32, i32
  }
  func.func @transform_5(%arg0: i32) -> (i32, i32) {
    %c0_i32 = arith.constant 0 : i32
    %c0_i32_0 = arith.constant 0 : i32
    %c0_i32_1 = arith.constant 0 : i32
    return %c0_i32, %c0_i32_0 : i32, i32
  }
  func.func @transform_6(%arg0: i32) -> (i32, i32) {
    %c0_i32 = arith.constant 0 : i32
    %c0_i32_0 = arith.constant 0 : i32
    %c0_i32_1 = arith.constant 0 : i32
    return %c0_i32, %c0_i32_0 : i32, i32
  }
  func.func @transform_7(%arg0: i32) -> (i32, i32) {
    %c0_i32 = arith.constant 0 : i32
    %c0_i32_0 = arith.constant 0 : i32
    %c0_i32_1 = arith.constant 0 : i32
    return %c0_i32, %c0_i32_0 : i32, i32
  }
  func.func @transform_8(%arg0: i32) -> (i32, i32) {
    %c0_i32 = arith.constant 0 : i32
    %c0_i32_0 = arith.constant 0 : i32
    %c0_i32_1 = arith.constant 0 : i32
    return %c0_i32, %c0_i32_0 : i32, i32
  }
  func.func @transform_9(%arg0: i32) -> (i32, i32) {
    %c0_i32 = arith.constant 0 : i32
    %c0_i32_0 = arith.constant 0 : i32
    %c0_i32_1 = arith.constant 0 : i32
    return %c0_i32, %c0_i32_0 : i32, i32
  }
  func.func @transform_10(%arg0: i32) -> (i32, i32) {
    %c0_i32 = arith.constant 0 : i32
    %c0_i32_0 = arith.constant 0 : i32
    %c0_i32_1 = arith.constant 0 : i32
    return %c0_i32, %c0_i32_0 : i32, i32
  }
  func.func @transform_11(%arg0: i32) -> (i32, i32) {
    %c0_i32 = arith.constant 0 : i32
    %c0_i32_0 = arith.constant 0 : i32
    %c0_i32_1 = arith.constant 0 : i32
    return %c0_i32, %c0_i32_0 : i32, i32
  }
  func.func @transform_12(%arg0: i32) -> (i32, i32) {
    %c0_i32 = arith.constant 0 : i32
    %c0_i32_0 = arith.constant 0 : i32
    %c0_i32_1 = arith.constant 0 : i32
    return %c0_i32, %c0_i32_0 : i32, i32
  }
  func.func @transform_13(%arg0: i32) -> (i32, i32) {
    %c0_i32 = arith.constant 0 : i32
    %c0_i32_0 = arith.constant 0 : i32
    return %arg0, %c0_i32 : i32, i32
  }
}

</mosaic_0001>

<sc_bundles>
// kernel: kernel.10.cloned.1.call-start
scs
__scs_entry_jumppad:
0x0: {  	(pc) =	sbr.rel $0x88, $3  }
0x1: {  	(tag) =	ssettag $0x0;
	lr =	simm.s32 $0x1  }
0x2: {  	[smem:$0x3F95] =	sst lr;
	_ =	strace $0xD0000000  }
0x3: {  	_ = 	snop  }
0x4: {  	_ = 	snop  }
0x5: {  	_ = 	snop  }
0x6: {  	_ = 	snop  }
0x7: {  	_ = 	snop  }
__scs_overlays_trampoline_lowered:
0x8: {  	[smem:$0x3FA4] =	sst s0  }
0x9: {  	[smem:$0x3FA5] =	sst s1  }
0xa: {  	[smem:$0x3FA6] =	sst s2  }
0xb: {  	[smem:$0x3FA7] =	sst s3  }
0xc: {  	[smem:$0x3FA8] =	sst s4  }
0xd: {  	[smem:$0x3FA9] =	sst s5  }
0xe: {  	[smem:$0x3FAA] =	sst s6  }
0xf: {  	[smem:$0x3FAB] =	sst s7  }
0x10: {  	[smem:$0x3FAC] =	sst s8  }
0x11: {  	[smem:$0x3FAD] =	sst s9;
	s0 =	simm.s32 @!p0 $0x0  }
0x12: {  	s1 =	sld [smem:$0x3F93];
	s0 =	simm.s32 @p0 $0x1  }
0x13: {  	[smem:$0x3FAE] =	sst s0;
	s0 =	simm.s32 @!p1 $0x0  }
0x14: {  	s2 =	sld [smem:$0x3F92];
	s0 =	simm.s32 @p1 $0x1  }
0x15: {  	[smem:$0x3FAF] =	sst s0;
	s0 =	simm.s32 @!p2 $0x0  }
0x16: {  	s3 =	sld [smem:$0x3FDB];
	s0 =	simm.s32 @p2 $0x1  }
0x17: {  	s4 =	simm.s32 $0x1BF5;
	[smem:$0x3FB1] =	sst s0  }
0x18: {  	s0 =	sld [smem:$0x3F94];
	_ =	swait.ge [sflag:s4], $0x0  }
0x19: {  	s7 =	sld [smem:$0x3F95]  }
0x1a: {  	s8 =	sadd.s32 $0xFFFFE003, lr  }
0x1b: {  	s9 =	sadd.s32 $0xFFFFFEF7, lr;
	s5 =	simm.s32 $0xFFFFFFFF;
	p2 =	slt.u32 s8, $0xFFFFF086  }
0x1c: {  	p1 =	slt.u32 s9, $0xF7A;
	s5 =	simm.s32 @!p2 $0x0  }
0x1d: {  	s5 =	simm.s32 @p1 $0x1;
	p0 =	seq.s32 s7, s2  }
0x1e: {  	s7 =	smul.u32 @!p0 $0xF7A, s2;
	p2 =	seq.s32 @!p0 s5, $0x0  }
0x1f: {  	s9 =	smul.u32 $0xF7A, s1;
	s8 =	simm.s32 @!p0 $0x1BF5;
	p2 =	por !p2, p0  }
0x20: {  	[sflag:s8] =	ssyncset.s32 @!p0 $0xFFFFF086;
	s6 =	sadd.s32 @!p0 s3, s7;
	s7 =	simm.s32 @!p0 $0x108  }
0x21: {  	s3 =	sadd.s32 s3, s9;
	s6 =	sadd.s32 @!p0 $0x88, s6;
	s7 =	simm.s32 @p2 $0x1082  }
0x22: {  	[simem:s7], [sflag:s8] =	dma.local @!p0 [hbm:s6], $0xF7A  }
0x23: {  	s9 =	sor.u32 $0xD0000000, s2;
	s6 =	simm.s32 $0x108;
	_ =	swait.ge @!p0 [sflag:s8], $0x0  }
0x24: {  	s3 =	sadd.s32 $0x88, s3;
	s6 =	simm.s32 @!p1 $0x1082;
	[sflag:s4] =	ssyncset.s32 $0xFFFFF086  }
0x25: {  	[simem:s6], [sflag:s4] =	dma.local [hbm:s3], $0xF7A  }
0x26: {  	[smem:$0x3F95] =	sst s1;
	(tag) =	ssettag s2;
	_ =	strace s9  }
0x27: {  	s1 =	sld [smem:$0x3FA5]  }
0x28: {  	s2 =	sld [smem:$0x3FA6]  }
0x29: {  	s4 =	sld [smem:$0x3FA8]  }
0x2a: {  	p0 =	seq.s32 s5, $0x0;
	s5 =	sld [smem:$0x3FA9]  }
0x2b: {  	s6 =	sld [smem:$0x3FAA]  }
0x2c: {  	s7 =	sld [smem:$0x3FAB]  }
0x2d: {  	s3 =	simm.s32 $0x108;
	s8 =	sld [smem:$0x3FAC]  }
0x2e: {  	s3 =	simm.s32 @!p0 $0x1082;
	s9 =	sld [smem:$0x3FAD]  }
0x2f: {  	lr =	sadd.s32 s0, s3;
	s0 =	sld [smem:$0x3FA4]  }
0x30: {  	s3 =	sld [smem:$0x3FA7]  }
0x31: {  	[smem:$0x3FB0] =	sst s10  }
0x32: {  	s10 =	sld [smem:$0x3FAE];
	_ =	sdelay $0x3  }
0x33: {  	p0 =	seq.s32 s10, $0x1;
	s10 =	sld [smem:$0x3FB0];
	_ =	sdelay $0x3  }
0x34: {  	[smem:$0x3FB0] =	sst s10  }
0x35: {  	s10 =	sld [smem:$0x3FAF];
	_ =	sdelay $0x3  }
0x36: {  	p1 =	seq.s32 s10, $0x1;
	s10 =	sld [smem:$0x3FB0];
	_ =	sdelay $0x3  }
0x37: {  	[smem:$0x3FB0] =	sst s10  }
0x38: {  	s10 =	sld [smem:$0x3FB1]  }
0x39: {  	_ = 	snop;
	(pc) =	sbr.ind lr, $3  }
0x3a: {  	_ = 	snop  }
0x3b: {  	_ = 	snop  }
0x3c: {  	p2 =	seq.s32 s10, $0x1;
	s10 =	sld [smem:$0x3FB0]  }
0x3d: {  	_ =	shalt  }
0x3e: {  	_ =	shalt  }
0x3f: {  	_ =	shalt  }
0x40: {  	_ =	shalt  }
0x41: {  	_ =	shalt  }
0x42: {  	_ =	shalt  }
0x43: {  	_ =	shalt  }
0x44: {  	_ =	shalt  }
0x45: {  	_ =	shalt  }
0x46: {  	_ =	shalt  }
0x47: {  	_ =	shalt  }
0x48: {  	_ =	shalt  }
0x49: {  	_ =	shalt  }
0x4a: {  	_ =	shalt  }
0x4b: {  	_ =	shalt  }
0x4c: {  	_ =	shalt  }
0x4d: {  	_ =	shalt  }
0x4e: {  	_ =	shalt  }
0x4f: {  	_ =	shalt  }
0x50: {  	_ =	shalt  }
0x51: {  	_ =	shalt  }
0x52: {  	_ =	shalt  }
0x53: {  	_ =	shalt  }
0x54: {  	_ =	shalt  }
0x55: {  	_ =	shalt  }
0x56: {  	_ =	shalt  }
0x57: {  	_ =	shalt  }
0x58: {  	_ =	shalt  }
0x59: {  	_ =	shalt  }
0x5a: {  	_ =	shalt  }
0x5b: {  	_ =	shalt  }
0x5c: {  	_ =	shalt  }
0x5d: {  	_ =	shalt  }
0x5e: {  	_ =	shalt  }
0x5f: {  	_ =	shalt  }
0x60: {  	_ =	shalt  }
0x61: {  	_ =	shalt  }
0x62: {  	_ =	shalt  }
0x63: {  	_ =	shalt  }
0x64: {  	_ =	shalt  }
0x65: {  	_ =	shalt  }
0x66: {  	_ =	shalt  }
0x67: {  	_ =	shalt  }
0x68: {  	_ =	shalt  }
0x69: {  	_ =	shalt  }
0x6a: {  	_ =	shalt  }
0x6b: {  	_ =	shalt  }
0x6c: {  	_ =	shalt  }
0x6d: {  	_ =	shalt  }
0x6e: {  	_ =	shalt  }
0x6f: {  	_ =	shalt  }
0x70: {  	_ =	shalt  }
0x71: {  	_ =	shalt  }
0x72: {  	_ =	shalt  }
0x73: {  	_ =	shalt  }
0x74: {  	_ =	shalt  }
0x75: {  	_ =	shalt  }
0x76: {  	_ =	shalt  }
0x77: {  	_ =	shalt  }
0x78: {  	_ =	shalt  }
0x79: {  	_ =	shalt  }
0x7a: {  	_ =	shalt  }
0x7b: {  	_ =	shalt  }
0x7c: {  	_ =	shalt  }
0x7d: {  	_ =	shalt  }
0x7e: {  	_ =	shalt  }
0x7f: {  	_ =	shalt  }
0x80: {  	_ =	shalt  }
0x81: {  	_ =	shalt  }
0x82: {  	_ =	shalt  }
0x83: {  	_ =	shalt  }
0x84: {  	_ =	shalt  }
0x85: {  	_ =	shalt  }
0x86: {  	_ =	shalt  }
0x87: {  	_ =	shalt  }
.Lfunc_end0:
.L_simem_size_0:
called_computation.1_lowered:
.L_overlay_start_0:
0x88: {  	s2 =	sld [smem:$0x3FD9]  }
0x89: {  	s3 =	sld [smem:$0x3FFE];
	_ =	sdelay $0x1  }
0x8a: {  	s1 =	srdreg.scid  }
0x8b: {  	s0 =	sand.u32 $0x1, s1  }
0x8c: {  	s17 =	sshll.u32 s0, $0xA;
	s2 =	sadd.s32 s3, s2  }
0x8d: {  	s2 =	sadd.s32 s2, s17  }
0x8e: {  	[smem:$0x3FBC] =	sst s2  }
0x8f: {  	_ = 	snop  }
0x90: {  	s2 =	sld [smem:$0x3FD0];
	(tm) =	ssettm $0x1  }
0x91: {  	s18 =	sld [smem:$0x3FFB];
	_ =	sdelay $0x3  }
0x92: {  	_ =	strace s18  }
0x93: {  	s3 =	sld [smem:$0x3FFC];
	_ =	sdelay $0x3  }
0x94: {  	_ =	strace s3  }
0x95: {  	s3 =	sld [smem:$0x3FFD];
	_ =	sdelay $0x3  }
0x96: {  	_ =	strace s3  }
0x97: {  	_ =	strace $0x8FFFFFFF  }
0x98: {  	s19 =	sld [smem:$0x3FDB];
	_ =	sdelay $0x1  }
0x99: {  	s4 =	simm.s32 $_scs_section_size  }
0x9a: {  	s5 =	simm.s32 $_size__tile_overlayer_lowered;
	s6 =	simm.s32 $_tile_overlayer_lowered  }
0x9b: {  	s22 =	simm.s32 $0x1BFF;
	s21 =	sshll.u32 s6, $0x1;
	s3 =	sadd.s32 s4, s19  }
0x9c: {  	s7 =	simm.s32 $0x0;
	s20 =	sshll.u32 s5, $0x1;
	s5 =	sadd.s32 s21, s3  }
0x9d: {  	[timem:s7], [sflag:s22] =	dma.local [hbm:s5], s20  }
0x9e: {  	_ =	swait.ge [sflag:s22], s20  }
0x9f: {  	s4 =	ssub.s32 $0x0, s20;
	[sflag:s22] =	ssyncset.done $0x0  }
0xa0: {  	[sflag:s22] =	ssyncadd.s32 s4;
	_ =	sdelay $0x1  }
0xa1: {  	s23 =	simm.s32 $0x1B8B  }
0xa2: {  	_ =	swait.ge [sflag:s23], $0x1  }
0xa3: {  	[sflag:s23] =	ssyncset.done $0x0  }
0xa4: {  	s25 =	simm.s32 $0x1B8E;
	s24 =	sld [smem:$0x3FFE];
	[sflag:s23] =	ssyncadd.s32 $0xFFFFFFFF  }
0xa5: {  	s26 =	simm.s32 $execute0_lowered;
	[smem:$0x3FD2] =	sst s25  }
0xa6: {  	s5 =	sshll.u32 s26, $0x1;
	_ =	strace $0x80000046;
	[dreg:$0x1] =	wrdreg $0xFFFFFFFF  }
0xa7: {  	s28 =	simm.s32 $_size_execute0_lowered;
	s3 =	sadd.s32 s3, s5;
	[dreg:$0x0] =	wrdreg $0x0  }
0xa8: {  	s5 =	sshll.u32 s28, $0x1;
	[dreg:$0x2] =	wrdreg s3  }
0xa9: {  	[dreg:$0x3] =	wrdreg s5  }
0xaa: {  	[dreg:$0x4] =	wrdreg $0xC0  }
0xab: {  	_ =	task [dreg:s7], $0x5FFFF  }
0xac: {  	[dreg:$0x1] =	wrdreg $0xFFFFFFFF  }
0xad: {  	[dreg:$0x0] =	wrdreg $0x60  }
0xae: {  	[dreg:$0x2] =	wrdreg s24  }
0xaf: {  	[dreg:$0x3] =	wrdreg s2  }
0xb0: {  	[dreg:$0x4] =	wrdreg $0xA  }
0xb1: {  	_ =	task.clear_ibuf [dreg:s7], $0x5FFFF;
	_ =	strace $0x90000046  }
0xb2: {  	s29 =	simm.s32 $0xA;
	_ =	strace $0x80000048  }
0xb3: {  	_ =	swait.ge [sflag:s29], $0x1  }
0xb4: {  	[sflag:s29] =	ssyncadd.s32 $0xFFFFFFFF  }
0xb5: {  	_ =	strace $0x90000048  }
0xb6: {  	_ =	sfence  }
0xb7: {  	s30 =	sld [smem:$0x0];
	_ =	sdelay $0x2  }
0xb8: {  	s31 =	sshll.u32 s1, $0xD;
	s1 =	sshrl.u32 s1, $0x2  }
0xb9: {  	s3 =	sand.u32 $0x4000, s31;
	s1 =	sadd.s32 s1, s30  }
0xba: {  	s0 =	sor.u32 s3, s0;
	s1 =	sshll.u32 s1, $0x11  }
0xbb: {  	s0 =	sor.u32 s1, s0  }
0xbc: {  	s0 =	sadd.s32 $0x8F2B, s0  }
0xbd: {  	[sflag:s0] =	ssyncadd.remote.s32 $0x1  }
0xbe: {  	_ =	sfence.sel $0xFFFF  }
0xbf: {  	[dreg:$0x0] =	wrdreg $0xFFFFFFFF;
	(pc) =	sbr.abs _section_cstart, $3  }
0xc0: {  	[dreg:$0x1] =	wrdreg $0xFFFFFFFF  }
0xc1: {  	_ =	task.clear_ibuf [dreg:s7], $0x2FFFF;
	_ =	strace $0x9FFFFFFF  }
0xc2: {  	(tm) =	ssettm $0x7FFFFFFF  }
0xc3: {  	_ =	shalt  }
tec
execute0_lowered:
.L_overlay_start_1:
0x0: {  	(tag) =	ssettag $0x1  }
0x1: {  	s1 =	srdreg.scid  }
0x2: {  	s14 =	rddreg [dreg:$0x0];
	s0 =	stileid.u32;
	s15 =	sand.u32 $0x1, s1  }
0x3: {  	s3 =	rddreg [dreg:$0x1];
	s4 =	sshll.u32 s0, $0xA;
	s5 =	sshll.u32 s15, $0x9  }
0x4: {  	s2 =	simm.s32 $0x0;
	s1 =	rddreg [dreg:$0x2];
	s16 =	sor.u32 s5, s4  }
0x5: {  	[smem:$0x7FF] =	sst s2;
	s4 =	sshrl.u32 s16, $0x3  }
0x6: {  	_ =	strace $0x80000047;
	s4 =	sadd.s32 s3, s4;
	s3 =	simm.s32 $0x2  }
0x7: {  	[tilespmem:s2], [sflag:$0x2] =	stream.linear.gather [hbm4b:s4+s2], $0x200, $0x38;
	[tilespmem:$0x10200] =	vst v63  }
0x8: {  	_ =	swait.ge [sflag:s3], $0x200  }
0x9: {  	s6 =	simm.s32 $0x80;
	[sflag:s3] =	ssyncset.done $0x0  }
0xa: {  	s7 =	simm.s32 $0x200;
	s5 =	sadd.s32 $0x1E00, s14;
	[sflag:s3] =	ssyncadd.s32 $0xFFFFFE00  }
0xb: {  	[tilespmem:s7], [sflag:$0x1] =	stream.indirect.gather [hbm4b:s5+s6], $0x80, s2, s6, $0xb8;
	[tilespmem:$0x10200] =	vst v63  }
0xc: {  	s8 =	simm.s32 $0x4200  }
0xd: {  	[tilespmem:s8], [sflag:$0x1] =	stream.indirect.gather [hbm4b:s5+s6], $0x80, s6, s6, $0xb8;
	[tilespmem:$0x10200] =	vst v63  }
0xe: {  	s9 =	simm.s32 $0x100;
	s10 =	simm.s32 $0x8200  }
0xf: {  	[tilespmem:s10], [sflag:$0x1] =	stream.indirect.gather [hbm4b:s5+s6], $0x80, s9, s6, $0xb8;
	[tilespmem:$0x10200] =	vst v63  }
0x10: {  	s11 =	simm.s32 $0x180;
	s12 =	simm.s32 $0xC200;
	s13 =	simm.s32 $0x1  }
0x11: {  	[tilespmem:s12], [sflag:$0x1] =	stream.indirect.gather [hbm4b:s5+s6], $0x80, s11, s6, $0xb8;
	[tilespmem:$0x10200] =	vst v63  }
0x12: {  	_ =	swait.ge [sflag:s13], $0x4000  }
0x13: {  	[sflag:s13] =	ssyncset.done $0x0  }
0x14: {  	[sflag:s13] =	ssyncadd.s32 $0xFFFFC000  }
0x15: {  	_ =	swait.ge [sflag:s13], $0x4000  }
0x16: {  	[sflag:s13] =	ssyncset.done $0x0  }
0x17: {  	s15 =	ssub.s32 $0x2, s15;
	[sflag:s13] =	ssyncadd.s32 $0xFFFFC000  }
0x18: {  	s17 =	sshrl.u32 s15, $0x1;
	_ =	swait.ge [sflag:s13], $0x4000  }
0x19: {  	s15 =	ssub.s32 s15, s17;
	[sflag:s13] =	ssyncset.done $0x0  }
0x1a: {  	s15 =	smax.u32 s15, $0x1;
	[sflag:s13] =	ssyncadd.s32 $0xFFFFC000  }
0x1b: {  	s16 =	sshll.u32 s16, $0x4;
	p0 =	sne.s32 s15, $0x1;
	_ =	swait.ge [sflag:s13], $0x4000  }
.Ltmp0:
0x1c: {  	s14 =	sadd.s32 s16, s14;
	[sflag:s13] =	ssyncset.done $0x0;
	(pc) =	sbr.rel @!p0 .LBB2_2-.Ltmp0, $4  }
0x1d: {  	s14 =	sadd.s32 $0x3E1E00, s14;
	[sflag:s13] =	ssyncadd.s32 $0xFFFFC000  }
0x1e: {  	[hbm4b:s14+s2] =	stream.linear.scatter [tilespmem:s7], [sflag:$0x2], $0x10000, $0x38;
	[tilespmem:$0x10200] =	vst v63  }
0x1f: {  	_ =	swait.ge [sflag:s3], $0x10000  }
0x20: {  	s15 =	sadd.s32 $0xFFFFFFFF, s15;
	[sflag:s3] =	ssyncset.done $0x0  }
.LBB2_1:
0x21: {  	p0 =	sne.s32 s15, $0x1;
	s15 =	sadd.s32 $0xFFFFFFFF, s15;
	[sflag:s3] =	ssyncadd.s32 $0xFFFF0000  }
0x22: {  	[tilespmem:s2], [sflag:$0x2] =	stream.linear.gather [hbm4b:s4+s2], $0x200, $0x38;
	[tilespmem:$0x10200] =	vst v63  }
0x23: {  	_ =	swait.ge [sflag:s3], $0x200  }
0x24: {  	[sflag:s3] =	ssyncset.done $0x0  }
0x25: {  	[sflag:s3] =	ssyncadd.s32 $0xFFFFFE00  }
0x26: {  	[tilespmem:s7], [sflag:$0x1] =	stream.indirect.gather [hbm4b:s5+s6], $0x80, s2, s6, $0xb8;
	[tilespmem:$0x10200] =	vst v63  }
0x27: {  	_ = 	snop  }
0x28: {  	[tilespmem:s8], [sflag:$0x1] =	stream.indirect.gather [hbm4b:s5+s6], $0x80, s6, s6, $0xb8;
	[tilespmem:$0x10200] =	vst v63  }
0x29: {  	_ = 	snop  }
0x2a: {  	[tilespmem:s10], [sflag:$0x1] =	stream.indirect.gather [hbm4b:s5+s6], $0x80, s9, s6, $0xb8;
	[tilespmem:$0x10200] =	vst v63  }
0x2b: {  	_ = 	snop  }
0x2c: {  	[tilespmem:s12], [sflag:$0x1] =	stream.indirect.gather [hbm4b:s5+s6], $0x80, s11, s6, $0xb8;
	[tilespmem:$0x10200] =	vst v63  }
0x2d: {  	_ =	swait.ge [sflag:s13], $0x4000  }
0x2e: {  	[sflag:s13] =	ssyncset.done $0x0  }
0x2f: {  	[sflag:s13] =	ssyncadd.s32 $0xFFFFC000  }
0x30: {  	_ =	swait.ge [sflag:s13], $0x4000  }
0x31: {  	[sflag:s13] =	ssyncset.done $0x0  }
0x32: {  	[sflag:s13] =	ssyncadd.s32 $0xFFFFC000  }
0x33: {  	_ =	swait.ge [sflag:s13], $0x4000  }
0x34: {  	[sflag:s13] =	ssyncset.done $0x0  }
0x35: {  	[sflag:s13] =	ssyncadd.s32 $0xFFFFC000  }
0x36: {  	_ =	swait.ge [sflag:s13], $0x4000  }
.Ltmp1:
0x37: {  	[sflag:s13] =	ssyncset.done $0x0;
	(pc) =	sbr.rel @p0 .LBB2_1-.Ltmp1, $4  }
0x38: {  	[sflag:s13] =	ssyncadd.s32 $0xFFFFC000  }
0x39: {  	[hbm4b:s14+s2] =	stream.linear.scatter [tilespmem:s7], [sflag:$0x2], $0x10000, $0x38;
	[tilespmem:$0x10200] =	vst v63  }
0x3a: {  	_ =	swait.ge [sflag:s3], $0x10000  }
0x3b: {  	[sflag:s3] =	ssyncset.done $0x0  }
.LBB2_2:
0x3c: {  	[sflag:s3] =	ssyncadd.s32 $0xFFFF0000  }
0x3d: {  	_ =	sfence.sel $0x180000  }
0x3e: {  	[bflag:$0x0] =	sbarrier.arrive $0xFFFF  }
0x3f: {  	p0 =	sne.s32 s0, $0x0;
	_ =	strace $0x90000047  }
0x40: {  	s0 =	sadd.s32 @!p0 $0x100000, s1;
	[bflag:$0x2] =	sbarrier.arrive $0xFFFF  }
0x41: {  	[sflag:s0] =	ssyncadd.tile.s32 @!p0 $0x1;
	_ =	shalt  }
.Lfunc_end2:
_tile_overlayer_lowered:
.L_overlay_start_2:
0x42: {  	(tag) =	ssettag $0x2  }
0x43: {  	s0 =	rddreg [dreg:$0x0];
	s2 =	stileid.u32  }
0x44: {  	s1 =	rddreg [dreg:$0x1];
	p0 =	sne.s32 s2, $0x0  }
0x45: {  	s3 =	rddreg [dreg:$0x2];
	[bflag:$0x3] =	sbarrier.arrive $0xFFFF;
	s2 =	simm.s32 @!p0 $0x1C02  }
0x46: {  	[timem:s3], [sflag:s2] =	dma.local @!p0 [hbm:s0], s1  }
0x47: {  	s0 =	simm.s32 @!p0 $0x2  }
0x48: {  	_ =	swait.ge @!p0 [sflag:s0], s1  }
0x49: {  	s1 =	ssub.s32 @!p0 $0x0, s1;
	[sflag:s0] =	ssyncset.done @!p0 $0x0  }
0x4a: {  	[sflag:s0] =	ssyncadd.s32 @!p0 s1  }
0x4b: {  	[bflag:$0x3] =	sbarrier.arrive $0xFFFF  }
0x4c: {  	_ =	shalt  }

// kernel: kernel.7.cloned.1.call-start
scs
__scs_entry_jumppad:
0x0: {  	(pc) =	sbr.rel $0x88, $3  }
0x1: {  	(tag) =	ssettag $0x0;
	lr =	simm.s32 $0x1  }
0x2: {  	[smem:$0x3F95] =	sst lr;
	_ =	strace $0xD0000000  }
0x3: {  	_ = 	snop  }
0x4: {  	_ = 	snop  }
0x5: {  	_ = 	snop  }
0x6: {  	_ = 	snop  }
0x7: {  	_ = 	snop  }
__scs_overlays_trampoline_lowered:
0x8: {  	[smem:$0x3FA4] =	sst s0  }
0x9: {  	[smem:$0x3FA5] =	sst s1  }
0xa: {  	[smem:$0x3FA6] =	sst s2  }
0xb: {  	[smem:$0x3FA7] =	sst s3  }
0xc: {  	[smem:$0x3FA8] =	sst s4  }
0xd: {  	[smem:$0x3FA9] =	sst s5  }
0xe: {  	[smem:$0x3FAA] =	sst s6  }
0xf: {  	[smem:$0x3FAB] =	sst s7  }
0x10: {  	[smem:$0x3FAC] =	sst s8  }
0x11: {  	[smem:$0x3FAD] =	sst s9;
	s0 =	simm.s32 @!p0 $0x0  }
0x12: {  	s1 =	sld [smem:$0x3F93];
	s0 =	simm.s32 @p0 $0x1  }
0x13: {  	[smem:$0x3FAE] =	sst s0;
	s0 =	simm.s32 @!p1 $0x0  }
0x14: {  	s2 =	sld [smem:$0x3F92];
	s0 =	simm.s32 @p1 $0x1  }
0x15: {  	[smem:$0x3FAF] =	sst s0;
	s0 =	simm.s32 @!p2 $0x0  }
0x16: {  	s3 =	sld [smem:$0x3FDB];
	s0 =	simm.s32 @p2 $0x1  }
0x17: {  	s4 =	simm.s32 $0x1BF5;
	[smem:$0x3FB1] =	sst s0  }
0x18: {  	s0 =	sld [smem:$0x3F94];
	_ =	swait.ge [sflag:s4], $0x0  }
0x19: {  	s7 =	sld [smem:$0x3F95]  }
0x1a: {  	s8 =	sadd.s32 $0xFFFFE003, lr  }
0x1b: {  	s9 =	sadd.s32 $0xFFFFFEF7, lr;
	s5 =	simm.s32 $0xFFFFFFFF;
	p2 =	slt.u32 s8, $0xFFFFF086  }
0x1c: {  	p1 =	slt.u32 s9, $0xF7A;
	s5 =	simm.s32 @!p2 $0x0  }
0x1d: {  	s5 =	simm.s32 @p1 $0x1;
	p0 =	seq.s32 s7, s2  }
0x1e: {  	s7 =	smul.u32 @!p0 $0xF7A, s2;
	p2 =	seq.s32 @!p0 s5, $0x0  }
0x1f: {  	s9 =	smul.u32 $0xF7A, s1;
	s8 =	simm.s32 @!p0 $0x1BF5;
	p2 =	por !p2, p0  }
0x20: {  	[sflag:s8] =	ssyncset.s32 @!p0 $0xFFFFF086;
	s6 =	sadd.s32 @!p0 s3, s7;
	s7 =	simm.s32 @!p0 $0x108  }
0x21: {  	s3 =	sadd.s32 s3, s9;
	s6 =	sadd.s32 @!p0 $0x88, s6;
	s7 =	simm.s32 @p2 $0x1082  }
0x22: {  	[simem:s7], [sflag:s8] =	dma.local @!p0 [hbm:s6], $0xF7A  }
0x23: {  	s9 =	sor.u32 $0xD0000000, s2;
	s6 =	simm.s32 $0x108;
	_ =	swait.ge @!p0 [sflag:s8], $0x0  }
0x24: {  	s3 =	sadd.s32 $0x88, s3;
	s6 =	simm.s32 @!p1 $0x1082;
	[sflag:s4] =	ssyncset.s32 $0xFFFFF086  }
0x25: {  	[simem:s6], [sflag:s4] =	dma.local [hbm:s3], $0xF7A  }
0x26: {  	[smem:$0x3F95] =	sst s1;
	(tag) =	ssettag s2;
	_ =	strace s9  }
0x27: {  	s1 =	sld [smem:$0x3FA5]  }
0x28: {  	s2 =	sld [smem:$0x3FA6]  }
0x29: {  	s4 =	sld [smem:$0x3FA8]  }
0x2a: {  	p0 =	seq.s32 s5, $0x0;
	s5 =	sld [smem:$0x3FA9]  }
0x2b: {  	s6 =	sld [smem:$0x3FAA]  }
0x2c: {  	s7 =	sld [smem:$0x3FAB]  }
0x2d: {  	s3 =	simm.s32 $0x108;
	s8 =	sld [smem:$0x3FAC]  }
0x2e: {  	s3 =	simm.s32 @!p0 $0x1082;
	s9 =	sld [smem:$0x3FAD]  }
0x2f: {  	lr =	sadd.s32 s0, s3;
	s0 =	sld [smem:$0x3FA4]  }
0x30: {  	s3 =	sld [smem:$0x3FA7]  }
0x31: {  	[smem:$0x3FB0] =	sst s10  }
0x32: {  	s10 =	sld [smem:$0x3FAE];
	_ =	sdelay $0x3  }
0x33: {  	p0 =	seq.s32 s10, $0x1;
	s10 =	sld [smem:$0x3FB0];
	_ =	sdelay $0x3  }
0x34: {  	[smem:$0x3FB0] =	sst s10  }
0x35: {  	s10 =	sld [smem:$0x3FAF];
	_ =	sdelay $0x3  }
0x36: {  	p1 =	seq.s32 s10, $0x1;
	s10 =	sld [smem:$0x3FB0];
	_ =	sdelay $0x3  }
0x37: {  	[smem:$0x3FB0] =	sst s10  }
0x38: {  	s10 =	sld [smem:$0x3FB1]  }
0x39: {  	_ = 	snop;
	(pc) =	sbr.ind lr, $3  }
0x3a: {  	_ = 	snop  }
0x3b: {  	_ = 	snop  }
0x3c: {  	p2 =	seq.s32 s10, $0x1;
	s10 =	sld [smem:$0x3FB0]  }
0x3d: {  	_ =	shalt  }
0x3e: {  	_ =	shalt  }
0x3f: {  	_ =	shalt  }
0x40: {  	_ =	shalt  }
0x41: {  	_ =	shalt  }
0x42: {  	_ =	shalt  }
0x43: {  	_ =	shalt  }
0x44: {  	_ =	shalt  }
0x45: {  	_ =	shalt  }
0x46: {  	_ =	shalt  }
0x47: {  	_ =	shalt  }
0x48: {  	_ =	shalt  }
0x49: {  	_ =	shalt  }
0x4a: {  	_ =	shalt  }
0x4b: {  	_ =	shalt  }
0x4c: {  	_ =	shalt  }
0x4d: {  	_ =	shalt  }
0x4e: {  	_ =	shalt  }
0x4f: {  	_ =	shalt  }
0x50: {  	_ =	shalt  }
0x51: {  	_ =	shalt  }
0x52: {  	_ =	shalt  }
0x53: {  	_ =	shalt  }
0x54: {  	_ =	shalt  }
0x55: {  	_ =	shalt  }
0x56: {  	_ =	shalt  }
0x57: {  	_ =	shalt  }
0x58: {  	_ =	shalt  }
0x59: {  	_ =	shalt  }
0x5a: {  	_ =	shalt  }
0x5b: {  	_ =	shalt  }
0x5c: {  	_ =	shalt  }
0x5d: {  	_ =	shalt  }
0x5e: {  	_ =	shalt  }
0x5f: {  	_ =	shalt  }
0x60: {  	_ =	shalt  }
0x61: {  	_ =	shalt  }
0x62: {  	_ =	shalt  }
0x63: {  	_ =	shalt  }
0x64: {  	_ =	shalt  }
0x65: {  	_ =	shalt  }
0x66: {  	_ =	shalt  }
0x67: {  	_ =	shalt  }
0x68: {  	_ =	shalt  }
0x69: {  	_ =	shalt  }
0x6a: {  	_ =	shalt  }
0x6b: {  	_ =	shalt  }
0x6c: {  	_ =	shalt  }
0x6d: {  	_ =	shalt  }
0x6e: {  	_ =	shalt  }
0x6f: {  	_ =	shalt  }
0x70: {  	_ =	shalt  }
0x71: {  	_ =	shalt  }
0x72: {  	_ =	shalt  }
0x73: {  	_ =	shalt  }
0x74: {  	_ =	shalt  }
0x75: {  	_ =	shalt  }
0x76: {  	_ =	shalt  }
0x77: {  	_ =	shalt  }
0x78: {  	_ =	shalt  }
0x79: {  	_ =	shalt  }
0x7a: {  	_ =	shalt  }
0x7b: {  	_ =	shalt  }
0x7c: {  	_ =	shalt  }
0x7d: {  	_ =	shalt  }
0x7e: {  	_ =	shalt  }
0x7f: {  	_ =	shalt  }
0x80: {  	_ =	shalt  }
0x81: {  	_ =	shalt  }
0x82: {  	_ =	shalt  }
0x83: {  	_ =	shalt  }
0x84: {  	_ =	shalt  }
0x85: {  	_ =	shalt  }
0x86: {  	_ =	shalt  }
0x87: {  	_ =	shalt  }
.Lfunc_end0:
.L_simem_size_0:
called_computation_lowered:
.L_overlay_start_0:
0x88: {  	s2 =	sld [smem:$0x3FD9]  }
0x89: {  	s3 =	sld [smem:$0x3FFE];
	_ =	sdelay $0x1  }
0x8a: {  	s1 =	srdreg.scid  }
0x8b: {  	s0 =	sand.u32 $0x1, s1  }
0x8c: {  	s17 =	sshll.u32 s0, $0xA;
	s2 =	sadd.s32 s3, s2  }
0x8d: {  	s2 =	sadd.s32 s2, s17  }
0x8e: {  	[smem:$0x3FBC] =	sst s2  }
0x8f: {  	_ = 	snop  }
0x90: {  	(tm) =	ssettm $0x1  }
0x91: {  	s18 =	sld [smem:$0x3FFB];
	_ =	sdelay $0x3  }
0x92: {  	_ =	strace s18  }
0x93: {  	s2 =	sld [smem:$0x3FFC];
	_ =	sdelay $0x3  }
0x94: {  	_ =	strace s2  }
0x95: {  	s2 =	sld [smem:$0x3FFD];
	_ =	sdelay $0x3  }
0x96: {  	_ =	strace s2  }
0x97: {  	_ =	strace $0x8FFFFFFF  }
0x98: {  	s19 =	sld [smem:$0x3FDB];
	_ =	sdelay $0x1  }
0x99: {  	s20 =	simm.s32 $_scs_section_size  }
0x9a: {  	s4 =	simm.s32 $_size__tile_overlayer_lowered;
	s5 =	simm.s32 $_tile_overlayer_lowered  }
0x9b: {  	s6 =	simm.s32 $0x1BFF;
	s21 =	sshll.u32 s5, $0x1;
	s3 =	sadd.s32 s20, s19  }
0x9c: {  	s22 =	simm.s32 $0x0;
	s4 =	sshll.u32 s4, $0x1;
	s5 =	sadd.s32 s21, s3  }
0x9d: {  	[timem:s22], [sflag:s6] =	dma.local [hbm:s5], s4  }
0x9e: {  	_ =	swait.ge [sflag:s6], s4  }
0x9f: {  	s4 =	ssub.s32 $0x0, s4;
	[sflag:s6] =	ssyncset.done $0x0  }
0xa0: {  	[sflag:s6] =	ssyncadd.s32 s4;
	_ =	sdelay $0x1  }
0xa1: {  	s23 =	simm.s32 $0x1B8B  }
0xa2: {  	_ =	swait.ge [sflag:s23], $0x1  }
0xa3: {  	[sflag:s23] =	ssyncset.done $0x0  }
0xa4: {  	[sflag:s23] =	ssyncadd.s32 $0xFFFFFFFF  }
0xa5: {  	s4 =	sld [smem:$0x0]  }
0xa6: {  	s5 =	sand.u32 $0xFFFFFFFE, s1  }
0xa7: {  	p0 =	sne.s32 s1, s5  }
0xa8: {  	s5 =	sshll.u32 @p0 s5, $0xE  }
0xa9: {  	s5 =	sadd.s32 @p0 $0x11B8D, s5;
	s6 =	sshll.u32 @p0 s4, $0x11  }
0xaa: {  	s5 =	sor.u32 @p0 s6, s5  }
0xab: {  	[sflag:s5] =	ssyncadd.remote.s32 @p0 $0x1;
	_ =	sdelay $0x1  }
0xac: {  	s5 =	simm.s32 @p0 $0x1B8D  }
0xad: {  	_ =	swait.eq @p0 [sflag:s5], $0x1  }
0xae: {  	[sflag:s5] =	ssyncadd.s32 @p0 $0xFFFFFFFF  }
0xaf: {  	s6 =	sshll.u32 @!p0 s1, $0xE  }
0xb0: {  	s6 =	sor.u32 @!p0 $0x4000, s6;
	s5 =	simm.s32 @!p0 $0x1B8D  }
0xb1: {  	s4 =	sshll.u32 @!p0 s4, $0x11;
	s6 =	sadd.s32 @!p0 $0x11B8D, s6;
	_ =	swait.eq @!p0 [sflag:s5], $0x1  }
0xb2: {  	s4 =	sor.u32 @!p0 s4, s6;
	[sflag:s5] =	ssyncadd.s32 @!p0 $0xFFFFFFFF  }
0xb3: {  	s25 =	simm.s32 $0x1B8E;
	s24 =	sld [smem:$0x3FFE];
	[sflag:s4] =	ssyncadd.remote.s32 @!p0 $0x1  }
0xb4: {  	s26 =	simm.s32 $execute0_lowered;
	[smem:$0x3FD2] =	sst s25  }
0xb5: {  	s5 =	sshll.u32 s26, $0x1;
	_ =	strace $0x80000049;
	[dreg:$0x1] =	wrdreg $0xFFFFFFFF  }
0xb6: {  	s28 =	simm.s32 $_size_execute0_lowered;
	s3 =	sadd.s32 s3, s5;
	[dreg:$0x0] =	wrdreg $0x0  }
0xb7: {  	s5 =	sshll.u32 s28, $0x1;
	[dreg:$0x2] =	wrdreg s3  }
0xb8: {  	[dreg:$0x3] =	wrdreg s5  }
0xb9: {  	[dreg:$0x4] =	wrdreg $0xC0  }
0xba: {  	_ =	task [dreg:s22], $0x5FFFF  }
0xbb: {  	[dreg:$0x1] =	wrdreg $0xFFFFFFFF  }
0xbc: {  	[dreg:$0x0] =	wrdreg $0x60  }
0xbd: {  	[dreg:$0x2] =	wrdreg s24  }
0xbe: {  	[dreg:$0x3] =	wrdreg $0x9  }
0xbf: {  	_ =	task.clear_ibuf [dreg:s22], $0x4FFFF;
	_ =	strace $0x90000049  }
0xc0: {  	s29 =	simm.s32 $0x9;
	_ =	strace $0x8000004B  }
0xc1: {  	_ =	swait.ge [sflag:s29], $0x1  }
0xc2: {  	[sflag:s29] =	ssyncadd.s32 $0xFFFFFFFF  }
0xc3: {  	_ =	strace $0x9000004B  }
0xc4: {  	_ =	sfence  }
0xc5: {  	s30 =	sld [smem:$0x0];
	_ =	sdelay $0x2  }
0xc6: {  	s31 =	sshll.u32 s1, $0xD;
	s1 =	sshrl.u32 s1, $0x2  }
0xc7: {  	s4 =	sand.u32 $0x4000, s31;
	s1 =	sadd.s32 s1, s30  }
0xc8: {  	s0 =	sor.u32 s4, s0;
	s1 =	sshll.u32 s1, $0x11  }
0xc9: {  	s0 =	sor.u32 s1, s0  }
0xca: {  	s0 =	sadd.s32 $0x8F2B, s0  }
0xcb: {  	[sflag:s0] =	ssyncadd.remote.s32 $0x1  }
0xcc: {  	_ =	sfence.sel $0xFFFF  }
0xcd: {  	[dreg:$0x0] =	wrdreg $0xFFFFFFFF;
	(pc) =	sbr.abs _section_cstart, $3  }
0xce: {  	[dreg:$0x1] =	wrdreg $0xFFFFFFFF  }
0xcf: {  	_ =	task.clear_ibuf [dreg:s22], $0x2FFFF;
	_ =	strace $0x9FFFFFFF  }
0xd0: {  	(tm) =	ssettm $0x7FFFFFFF  }
0xd1: {  	_ =	shalt  }
tec
execute0_lowered:
.L_overlay_start_1:
0x0: {  	(tag) =	ssettag $0x1  }
0x1: {  	s1 =	srdreg.scid  }
0x2: {  	s0 =	stileid.u32;
	s14 =	sand.u32 $0x1, s1  }
0x3: {  	s29 =	sshll.u32 s0, $0xA;
	s2 =	sshll.u32 s14, $0x9  }
0x4: {  	s15 =	rddreg [dreg:$0x0];
	s16 =	sor.u32 s2, s29  }
0x5: {  	s1 =	rddreg [dreg:$0x1];
	s2 =	simm.s32 $0x0;
	s3 =	sshrl.u32 s16, $0x3  }
0x6: {  	[smem:$0x7FF] =	sst s2;
	s3 =	sadd.s32 s3, s15  }
0x7: {  	_ =	strace $0x8000004A;
	s4 =	sadd.s32 $0x4A1E00, s3;
	s3 =	simm.s32 $0x2  }
0x8: {  	[tilespmem:s2], [sflag:$0x2] =	stream.linear.gather [hbm4b:s4+s2], $0x200, $0x38;
	[tilespmem:$0x10200] =	vst v63  }
0x9: {  	_ =	swait.ge [sflag:s3], $0x200  }
0xa: {  	s6 =	simm.s32 $0x80;
	[sflag:s3] =	ssyncset.done $0x0  }
0xb: {  	s7 =	simm.s32 $0x200;
	s5 =	sadd.s32 $0x421E00, s15;
	[sflag:s3] =	ssyncadd.s32 $0xFFFFFE00  }
0xc: {  	[tilespmem:s7], [sflag:$0x1] =	stream.indirect.gather [hbm4b:s5+s6], $0x80, s2, s6, $0xb8;
	[tilespmem:$0x10200] =	vst v63  }
0xd: {  	s8 =	simm.s32 $0x4200  }
0xe: {  	[tilespmem:s8], [sflag:$0x1] =	stream.indirect.gather [hbm4b:s5+s6], $0x80, s6, s6, $0xb8;
	[tilespmem:$0x10200] =	vst v63  }
0xf: {  	s9 =	simm.s32 $0x100;
	s10 =	simm.s32 $0x8200  }
0x10: {  	[tilespmem:s10], [sflag:$0x1] =	stream.indirect.gather [hbm4b:s5+s6], $0x80, s9, s6, $0xb8;
	[tilespmem:$0x10200] =	vst v63  }
0x11: {  	s11 =	simm.s32 $0x180;
	s12 =	simm.s32 $0xC200;
	s13 =	simm.s32 $0x1  }
0x12: {  	[tilespmem:s12], [sflag:$0x1] =	stream.indirect.gather [hbm4b:s5+s6], $0x80, s11, s6, $0xb8;
	[tilespmem:$0x10200] =	vst v63  }
0x13: {  	_ =	swait.ge [sflag:s13], $0x4000  }
0x14: {  	[sflag:s13] =	ssyncset.done $0x0  }
0x15: {  	[sflag:s13] =	ssyncadd.s32 $0xFFFFC000  }
0x16: {  	_ =	swait.ge [sflag:s13], $0x4000  }
0x17: {  	[sflag:s13] =	ssyncset.done $0x0  }
0x18: {  	s14 =	ssub.s32 $0x2, s14;
	[sflag:s13] =	ssyncadd.s32 $0xFFFFC000  }
0x19: {  	s17 =	sshrl.u32 s14, $0x1;
	_ =	swait.ge [sflag:s13], $0x4000  }
0x1a: {  	s30 =	ssub.s32 s14, s17;
	[sflag:s13] =	ssyncset.done $0x0  }
0x1b: {  	s31 =	smax.u32 s30, $0x1;
	[sflag:s13] =	ssyncadd.s32 $0xFFFFC000  }
0x1c: {  	s16 =	sshll.u32 s16, $0x4;
	p0 =	sne.s32 s31, $0x1;
	_ =	swait.ge [sflag:s13], $0x4000  }
.Ltmp0:
0x1d: {  	s15 =	sadd.s32 s16, s15;
	[sflag:s13] =	ssyncset.done $0x0;
	(pc) =	sbr.rel @!p0 .LBB2_2-.Ltmp0, $4  }
0x1e: {  	s14 =	sadd.s32 $0x4A2600, s15;
	[sflag:s13] =	ssyncadd.s32 $0xFFFFC000  }
0x1f: {  	[hbm4b:s14+s2] =	stream.linear.scatter [tilespmem:s7], [sflag:$0x2], $0x10000, $0x38;
	[tilespmem:$0x10200] =	vst v63  }
0x20: {  	_ =	swait.ge [sflag:s3], $0x10000  }
0x21: {  	s15 =	sadd.s32 $0xFFFFFFFF, s31;
	[sflag:s3] =	ssyncset.done $0x0  }
.LBB2_1:
0x22: {  	p0 =	sne.s32 s15, $0x1;
	s15 =	sadd.s32 $0xFFFFFFFF, s15;
	[sflag:s3] =	ssyncadd.s32 $0xFFFF0000  }
0x23: {  	[tilespmem:s2], [sflag:$0x2] =	stream.linear.gather [hbm4b:s4+s2], $0x200, $0x38;
	[tilespmem:$0x10200] =	vst v63  }
0x24: {  	_ =	swait.ge [sflag:s3], $0x200  }
0x25: {  	[sflag:s3] =	ssyncset.done $0x0  }
0x26: {  	[sflag:s3] =	ssyncadd.s32 $0xFFFFFE00  }
0x27: {  	[tilespmem:s7], [sflag:$0x1] =	stream.indirect.gather [hbm4b:s5+s6], $0x80, s2, s6, $0xb8;
	[tilespmem:$0x10200] =	vst v63  }
0x28: {  	_ = 	snop  }
0x29: {  	[tilespmem:s8], [sflag:$0x1] =	stream.indirect.gather [hbm4b:s5+s6], $0x80, s6, s6, $0xb8;
	[tilespmem:$0x10200] =	vst v63  }
0x2a: {  	_ = 	snop  }
0x2b: {  	[tilespmem:s10], [sflag:$0x1] =	stream.indirect.gather [hbm4b:s5+s6], $0x80, s9, s6, $0xb8;
	[tilespmem:$0x10200] =	vst v63  }
0x2c: {  	_ = 	snop  }
0x2d: {  	[tilespmem:s12], [sflag:$0x1] =	stream.indirect.gather [hbm4b:s5+s6], $0x80, s11, s6, $0xb8;
	[tilespmem:$0x10200] =	vst v63  }
0x2e: {  	_ =	swait.ge [sflag:s13], $0x4000  }
0x2f: {  	[sflag:s13] =	ssyncset.done $0x0  }
0x30: {  	[sflag:s13] =	ssyncadd.s32 $0xFFFFC000  }
0x31: {  	_ =	swait.ge [sflag:s13], $0x4000  }
0x32: {  	[sflag:s13] =	ssyncset.done $0x0  }
0x33: {  	[sflag:s13] =	ssyncadd.s32 $0xFFFFC000  }
0x34: {  	_ =	swait.ge [sflag:s13], $0x4000  }
0x35: {  	[sflag:s13] =	ssyncset.done $0x0  }
0x36: {  	[sflag:s13] =	ssyncadd.s32 $0xFFFFC000  }
0x37: {  	_ =	swait.ge [sflag:s13], $0x4000  }
.Ltmp1:
0x38: {  	[sflag:s13] =	ssyncset.done $0x0;
	(pc) =	sbr.rel @p0 .LBB2_1-.Ltmp1, $4  }
0x39: {  	[sflag:s13] =	ssyncadd.s32 $0xFFFFC000  }
0x3a: {  	[hbm4b:s14+s2] =	stream.linear.scatter [tilespmem:s7], [sflag:$0x2], $0x10000, $0x38;
	[tilespmem:$0x10200] =	vst v63  }
0x3b: {  	_ =	swait.ge [sflag:s3], $0x10000  }
0x3c: {  	[sflag:s3] =	ssyncset.done $0x0  }
.LBB2_2:
0x3d: {  	[sflag:s3] =	ssyncadd.s32 $0xFFFF0000  }
0x3e: {  	_ =	sfence.sel $0x180000  }
0x3f: {  	[bflag:$0x0] =	sbarrier.arrive $0xFFFF  }
0x40: {  	p0 =	sne.s32 s0, $0x0;
	_ =	strace $0x9000004A  }
0x41: {  	s0 =	sadd.s32 @!p0 $0x100000, s1;
	[bflag:$0x2] =	sbarrier.arrive $0xFFFF  }
0x42: {  	[sflag:s0] =	ssyncadd.tile.s32 @!p0 $0x1;
	_ =	shalt  }
.Lfunc_end2:
_tile_overlayer_lowered:
.L_overlay_start_2:
0x43: {  	(tag) =	ssettag $0x2  }
0x44: {  	s0 =	rddreg [dreg:$0x0];
	s2 =	stileid.u32  }
0x45: {  	s1 =	rddreg [dreg:$0x1];
	p0 =	sne.s32 s2, $0x0  }
0x46: {  	s3 =	rddreg [dreg:$0x2];
	[bflag:$0x3] =	sbarrier.arrive $0xFFFF;
	s2 =	simm.s32 @!p0 $0x1C02  }
0x47: {  	[timem:s3], [sflag:s2] =	dma.local @!p0 [hbm:s0], s1  }
0x48: {  	s0 =	simm.s32 @!p0 $0x2  }
0x49: {  	_ =	swait.ge @!p0 [sflag:s0], s1  }
0x4a: {  	s1 =	ssub.s32 @!p0 $0x0, s1;
	[sflag:s0] =	ssyncset.done @!p0 $0x0  }
0x4b: {  	[sflag:s0] =	ssyncadd.s32 @!p0 s1  }
0x4c: {  	[bflag:$0x3] =	sbarrier.arrive $0xFFFF  }
0x4d: {  	_ =	shalt  }

</sc_bundles>
